<compile_context>
chip_gen: v7x
topology: tpu7x:2x2x1
jax: 0.10.2.dev20260603
libtpu: 0.0.44.dev20260713+nightly
codegen_flags: <defaults>
</compile_context>

<pallas_src>
import functools

import jax
import jax.numpy as jnp
from jax import lax
from jax.experimental import pallas as pl
from jax.experimental.pallas import tpu as pltpu
from jax.experimental.pallas import tpu_sc as plsc

N = 100000
NC = 2
NS = 16
NW = NC * NS
CHUNK = 128
GRP = 12
NFULL = 24
NCHUNK = 25
B_PER_W = CHUNK * NCHUNK
NPAD = NW * B_PER_W
BN = 8192
CPAD = -(-N // BN) * BN


TAIL_W = NW - 1
TAIL_ROWS = N - TAIL_W * B_PER_W
TAIL_FULL = TAIL_ROWS // CHUNK
TAIL_REM = TAIL_ROWS - TAIL_FULL * CHUNK


def _sc_gather(emb_atom, atom_idx, batch_idx, charge_i):
    E1 = emb_atom.shape[1]
    mesh = plsc.VectorSubcoreMesh(core_axis_name="c", subcore_axis_name="s")

    @functools.partial(
        pl.kernel,
        out_type=(
            jax.ShapeDtypeStruct((N, E1), jnp.float32),
            jax.ShapeDtypeStruct((CPAD,), jnp.int32),
        ),
        mesh=mesh,
        compiler_params=pltpu.CompilerParams(use_tc_tiling_on_sc=False),
        scratch_types=(
            [pltpu.VMEM((B_PER_W,), jnp.int32)] * 3 +
            [pltpu.VMEM((CHUNK, E1), jnp.float32)] * GRP +
            [pltpu.SemaphoreType.DMA] * (GRP + 2)
        ),
    )
    def k(table_hbm, idx_hbm, batch_hbm, charge_hbm, ea_hbm, cpn_hbm,
          idx_v, batch_v, cpn_v, *bufs_and_sems):
        rows = bufs_and_sems[:GRP]
        gsems = bufs_and_sems[GRP:2 * GRP]
        wsem, csem = bufs_and_sems[2 * GRP:]
        wid = lax.axis_index("s") * NC + lax.axis_index("c")
        base = wid * B_PER_W

        @pl.when(wid < TAIL_W)
        def _main():
            pltpu.sync_copy(idx_hbm.at[pl.ds(base, B_PER_W)], idx_v)
            pltpu.sync_copy(batch_hbm.at[pl.ds(base, B_PER_W)], batch_v)

            def body(i, carry):
                j0 = i * GRP
                cd = [pltpu.async_copy(
                    charge_hbm.at[batch_v.at[pl.ds((j0 + k) * CHUNK, CHUNK)]],
                    cpn_v.at[pl.ds((j0 + k) * CHUNK, CHUNK)], csem)
                    for k in range(GRP)]
                gd = [pltpu.async_copy(
                    table_hbm.at[idx_v.at[pl.ds((j0 + k) * CHUNK, CHUNK)]],
                    rows[k], gsems[k])
                    for k in range(GRP)]
                wd = []
                for k in range(GRP):
                    gd[k].wait()
                    wd.append(pltpu.async_copy(
                        rows[k],
                        ea_hbm.at[pl.ds(base + (j0 + k) * CHUNK, CHUNK)],
                        wsem))
                for k in range(GRP):
                    wd[k].wait()
                    cd[k].wait()
                return carry

            lax.fori_loop(0, NFULL // GRP, body, 0)
            last = NCHUNK - 1
            cl = pltpu.async_copy(
                charge_hbm.at[batch_v.at[pl.ds(last * CHUNK, CHUNK)]],
                cpn_v.at[pl.ds(last * CHUNK, CHUNK)], csem)
            pltpu.async_copy(
                table_hbm.at[idx_v.at[pl.ds(last * CHUNK, CHUNK)]],
                rows[0], gsems[0]).wait()
            pltpu.sync_copy(rows[0], ea_hbm.at[pl.ds(base + last * CHUNK, CHUNK)])
            cl.wait()
            pltpu.sync_copy(cpn_v, cpn_hbm.at[pl.ds(base, B_PER_W)])

        @pl.when(wid == TAIL_W)
        def _tail():
            tb = TAIL_W * B_PER_W
            pltpu.sync_copy(idx_hbm.at[pl.ds(tb, TAIL_ROWS)],
                            idx_v.at[pl.ds(0, TAIL_ROWS)])
            pltpu.sync_copy(batch_hbm.at[pl.ds(tb, TAIL_ROWS)],
                            batch_v.at[pl.ds(0, TAIL_ROWS)])
            sizes = [CHUNK] * TAIL_FULL + ([TAIL_REM] if TAIL_REM else [])
            cd = []
            off = 0
            for sz in sizes:
                cd.append(pltpu.async_copy(
                    charge_hbm.at[batch_v.at[pl.ds(off, sz)]],
                    cpn_v.at[pl.ds(off, sz)], csem))
                off += sz
            off = 0
            for j, sz in enumerate(sizes):
                buf = rows[j % GRP] if sz == CHUNK else rows[j % GRP].at[pl.ds(0, sz)]
                pltpu.async_copy(
                    table_hbm.at[idx_v.at[pl.ds(off, sz)]], buf,
                    gsems[j % GRP]).wait()
                pltpu.sync_copy(buf, ea_hbm.at[pl.ds(tb + off, sz)])
                off += sz
            for c in cd:
                c.wait()
            pltpu.sync_copy(cpn_v.at[pl.ds(0, TAIL_ROWS)],
                            cpn_hbm.at[pl.ds(tb, TAIL_ROWS)])

    return k(emb_atom, atom_idx, batch_idx, charge_i)


def _tc_fused(pos_feat, ea, cpn3, W1, b1r, W2, b2r, Wp_a, Wp_h, emb_charge, Wp_c):
    IN = pos_feat.shape[1]
    E1 = ea.shape[1]
    VC, E3 = emb_charge.shape
    OUT = Wp_a.shape[1]
    nb = pl.cdiv(N, BN)

    def body(pf_ref, ea_ref, cpn_ref, w1_ref, b1_ref, w2_ref, b2_ref,
             wpa_ref, wph_ref, ec_ref, wpc_ref, out_ref):
        h1 = jnp.dot(pf_ref[...], w1_ref[...], preferred_element_type=jnp.float32)
        h1 = h1 + b1_ref[...]
        h1 = h1 * jax.nn.sigmoid(h1)
        h = jnp.dot(h1, w2_ref[...], preferred_element_type=jnp.float32) + b2_ref[...]
        acc = jnp.dot(ea_ref[...], wpa_ref[...], preferred_element_type=jnp.float32)
        acc = acc + jnp.dot(h, wph_ref[...], preferred_element_type=jnp.float32)
        cg = jnp.dot(ec_ref[...], wpc_ref[...], preferred_element_type=jnp.float32)
        cpn = cpn_ref[0, 0, :]
        oh = (cpn[:, None] == lax.broadcasted_iota(jnp.int32, (BN, VC), 1)
              ).astype(jnp.float32)
        acc = acc + jnp.dot(oh, cg, preferred_element_type=jnp.float32)
        out_ref[...] = acc * jax.nn.sigmoid(acc)

    rep = lambda i: (0, 0)
    return pl.pallas_call(
        body,
        grid=(nb,),
        in_specs=[
            pl.BlockSpec((BN, IN), lambda i: (i, 0)),
            pl.BlockSpec((BN, E1), lambda i: (i, 0)),
            pl.BlockSpec((1, 1, BN), lambda i: (i, 0, 0)),
            pl.BlockSpec((IN, E1), rep),
            pl.BlockSpec((1, E1), rep),
            pl.BlockSpec((E1, E1), rep),
            pl.BlockSpec((1, E1), rep),
            pl.BlockSpec((E1, OUT), rep),
            pl.BlockSpec((E1, OUT), rep),
            pl.BlockSpec((VC, E3), rep),
            pl.BlockSpec((E3, OUT), rep),
        ],
        out_specs=pl.BlockSpec((BN, OUT), lambda i: (i, 0)),
        out_shape=jax.ShapeDtypeStruct((N, OUT), jnp.float32),
    )(pos_feat, ea, cpn3, W1, b1r, W2, b2r, Wp_a, Wp_h, emb_charge, Wp_c)


def kernel(batch, atom_type, pos_feat, charge, emb_atom, W1, b1, W2, b2, emb_charge, W_proj):
    E1 = emb_atom.shape[1]
    E2 = W2.shape[1]
    atom_idx = atom_type.astype(jnp.int32)
    batch_idx = batch.astype(jnp.int32)
    charge_i = charge.astype(jnp.int32)
    Wp_a = W_proj[:E1]
    Wp_h = W_proj[E1:E1 + E2]
    Wp_c = W_proj[E1 + E2:]
    b1r, b2r = b1.reshape(1, -1), b2.reshape(1, -1)

    ea, cpn = _sc_gather(emb_atom, atom_idx, batch_idx, charge_i)
    cpn3 = cpn.reshape(CPAD // BN, 1, BN)
    return _tc_fused(pos_feat, ea, cpn3, W1, b1r, W2, b2r, Wp_a, Wp_h,
                     emb_charge, Wp_c)

# --- scband reference (transcript-rebuilt; emitter-appended) ---
"""Pipeline reference for scband-generic-joint-embedding-24292335026425 (READ-ONLY COPY).

The authoritative reference and input builder live on the scoring server;
editing this copy changes nothing except your own understanding.
"""

import jax, jax.numpy as jnp
import numpy as np

N = 100000   # nodes
G = 1000     # graphs
V = 100000   # atom_type vocab
E1 = 64      # atom_type emb dim
IN = 16      # continuous in_dim
E2 = 64      # continuous emb dim
VC = 21      # charge num_classes
E3 = 32      # charge emb dim
OUT = 128    # out_dim


def setup_inputs(seed: int = 0) -> dict:
    key = jax.random.key(seed)
    ks = jax.random.split(key, 10)
    batch = jnp.sort(jax.random.randint(ks[0], (N,), 0, G)).astype(jnp.int64)
    atom_type = jax.random.randint(ks[1], (N,), 0, V).astype(jnp.int64)
    pos_feat = jax.random.normal(ks[2], (N, IN), dtype=jnp.float32)
    charge = jax.random.randint(ks[3], (G,), 0, VC).astype(jnp.int64)
    emb_atom = jax.random.normal(ks[4], (V, E1), dtype=jnp.float32) * 0.02
    W1 = jax.random.normal(ks[5], (IN, E2), dtype=jnp.float32) * (1.0 / np.sqrt(IN))
    b1 = jnp.zeros((E2,), dtype=jnp.float32)
    W2 = jax.random.normal(ks[6], (E2, E2), dtype=jnp.float32) * (1.0 / np.sqrt(E2))
    b2 = jnp.zeros((E2,), dtype=jnp.float32)
    emb_charge = jax.random.normal(ks[7], (VC, E3), dtype=jnp.float32) * 0.02
    W_proj = jax.random.normal(ks[8], (E1 + E2 + E3, OUT), dtype=jnp.float32) * (1.0 / np.sqrt(E1 + E2 + E3))
    return {"batch": batch, "atom_type": atom_type, "pos_feat": pos_feat, "charge": charge,
            "emb_atom": emb_atom, "W1": W1, "b1": b1, "W2": W2, "b2": b2,
            "emb_charge": emb_charge, "W_proj": W_proj}


def reference(batch, atom_type, pos_feat, charge, emb_atom, W1, b1, W2, b2, emb_charge, W_proj):
    # spec 'atom_type': categorical, per-node -> embedding gather
    e_atom = jnp.take(emb_atom, atom_type, axis=0)                      # [N, E1]
    # spec 'pos_feat': continuous, per-node -> Linear, SiLU, Linear
    h = jax.nn.silu(pos_feat @ W1 + b1) @ W2 + b2                       # [N, E2]
    # spec 'charge': categorical, per-graph -> upsample via batch, then embedding
    charge_per_node = jnp.take(charge, batch, axis=0)                   # [N]
    e_charge = jnp.take(emb_charge, charge_per_node, axis=0)            # [N, E3]
    x = jnp.concatenate([e_atom, h, e_charge], axis=-1)                 # [N, E1+E2+E3]
    # project: Linear(total_dim, out_dim, bias=False) then SiLU
    return jax.nn.silu(x @ W_proj)                                      # [N, OUT]

if __name__ == "__main__":
    import jax
    _d = setup_inputs()
    print(jax.jit(kernel)(*tuple(_d.values())))

</pallas_src>

<mosaic_0001>
#map = affine_map<(d0, d1) -> (0, 0)>
#map1 = affine_map<(d0, d1) -> (0)>
module attributes {stable_mosaic.version = 14 : i64} {
  func.func @k(%arg0: i32, %arg1: i32, %arg2: memref<100000x64xf32, #tpu.memory_space<hbm>>, %arg3: memref<100000xi32, #tpu.memory_space<hbm>>, %arg4: memref<100000xi32, #tpu.memory_space<hbm>>, %arg5: memref<1000xi32, #tpu.memory_space<hbm>>, %arg6: memref<100000x64xf32, #tpu.memory_space<hbm>>, %arg7: memref<106496xi32, #tpu.memory_space<hbm>>, %arg8: memref<3200xi32, #tpu.memory_space<vmem>>, %arg9: memref<3200xi32, #tpu.memory_space<vmem>>, %arg10: memref<3200xi32, #tpu.memory_space<vmem>>, %arg11: memref<128x64xf32, #tpu.memory_space<vmem>>, %arg12: memref<128x64xf32, #tpu.memory_space<vmem>>, %arg13: memref<128x64xf32, #tpu.memory_space<vmem>>, %arg14: memref<128x64xf32, #tpu.memory_space<vmem>>, %arg15: memref<128x64xf32, #tpu.memory_space<vmem>>, %arg16: memref<128x64xf32, #tpu.memory_space<vmem>>, %arg17: memref<128x64xf32, #tpu.memory_space<vmem>>, %arg18: memref<128x64xf32, #tpu.memory_space<vmem>>, %arg19: memref<128x64xf32, #tpu.memory_space<vmem>>, %arg20: memref<128x64xf32, #tpu.memory_space<vmem>>, %arg21: memref<128x64xf32, #tpu.memory_space<vmem>>, %arg22: memref<128x64xf32, #tpu.memory_space<vmem>>, %arg23: memref<!tpu.dma_semaphore, #tpu.memory_space<semaphore_mem>>, %arg24: memref<!tpu.dma_semaphore, #tpu.memory_space<semaphore_mem>>, %arg25: memref<!tpu.dma_semaphore, #tpu.memory_space<semaphore_mem>>, %arg26: memref<!tpu.dma_semaphore, #tpu.memory_space<semaphore_mem>>, %arg27: memref<!tpu.dma_semaphore, #tpu.memory_space<semaphore_mem>>, %arg28: memref<!tpu.dma_semaphore, #tpu.memory_space<semaphore_mem>>, %arg29: memref<!tpu.dma_semaphore, #tpu.memory_space<semaphore_mem>>, %arg30: memref<!tpu.dma_semaphore, #tpu.memory_space<semaphore_mem>>, %arg31: memref<!tpu.dma_semaphore, #tpu.memory_space<semaphore_mem>>, %arg32: memref<!tpu.dma_semaphore, #tpu.memory_space<semaphore_mem>>, %arg33: memref<!tpu.dma_semaphore, #tpu.memory_space<semaphore_mem>>, %arg34: memref<!tpu.dma_semaphore, #tpu.memory_space<semaphore_mem>>, %arg35: memref<!tpu.dma_semaphore, #tpu.memory_space<semaphore_mem>>, %arg36: memref<!tpu.dma_semaphore, #tpu.memory_space<semaphore_mem>>) attributes {dimension_semantics = [#tpu.dimension_semantics<core_parallel>, #tpu.dimension_semantics<subcore_parallel>], iteration_bounds = array<i64: 2, 16>, scalar_prefetch = 0 : i64, scratch_operands = 29 : i64, tpu.core_type = #tpu.core_type<sc_vector_subcore>, window_params = [{transform_indices = #map}, {transform_indices = #map1}, {transform_indices = #map1}, {transform_indices = #map1}, {transform_indices = #map}, {transform_indices = #map1}]} {
    %mul3A = arith.constant 2 : i32
    %mul3A_0 = arith.muli %arg1, %mul3A : i32
    %add3A = arith.addi %mul3A_0, %arg0 : i32
    %mul3A_1 = arith.constant 3200 : i32
    %mul3A_2 = arith.muli %add3A, %mul3A_1 : i32
    %lt3A = arith.constant 31 : i32
    %lt3A_3 = arith.cmpi slt, %add3A, %lt3A : i32
    %convert_element_type3A = arith.extui %lt3A_3 : i1 to i32
    %cond3A = arith.constant 0 : i32
    %cond3A_4 = arith.cmpi ne, %convert_element_type3A, %cond3A : i32
    scf.if %cond3A_4 {
      "tpu.region"() ({
        %run_scoped3A = tpu.sem_alloc : memref<!tpu.dma_semaphore, #tpu.memory_space<semaphore_mem>>
        %dma_start3A_36 = tpu.memref_slice %arg3[%mul3A_2] : memref<100000xi32, #tpu.memory_space<hbm>> -> memref<3200xi32, #tpu.memory_space<hbm>>
        %dma_start3A_37 = tpu.memref_slice %arg3[%mul3A_2] : memref<100000xi32, #tpu.memory_space<hbm>> -> memref<3200xi32, #tpu.memory_space<hbm>>
        tpu.enqueue_dma source(%dma_start3A_37 : memref<3200xi32, #tpu.memory_space<hbm>>) target(%arg8 : memref<3200xi32, #tpu.memory_space<vmem>>) target_semaphore(%run_scoped3A : memref<!tpu.dma_semaphore, #tpu.memory_space<semaphore_mem>>)
        %dma_wait3A_38 = tpu.memref_slice %arg3[%mul3A_2] : memref<100000xi32, #tpu.memory_space<hbm>> -> memref<3200xi32, #tpu.memory_space<hbm>>
        %dma_wait3A_39 = tpu.memref_slice %arg3[%mul3A_2] : memref<100000xi32, #tpu.memory_space<hbm>> -> memref<3200xi32, #tpu.memory_space<hbm>>
        tpu.wait_dma2 semaphore(%run_scoped3A : memref<!tpu.dma_semaphore, #tpu.memory_space<semaphore_mem>>) src(%dma_wait3A_39 : memref<3200xi32, #tpu.memory_space<hbm>>) dst(%arg8 : memref<3200xi32, #tpu.memory_space<vmem>>)
        tpu.yield
      }) : () -> ()
      "tpu.region"() ({
        %run_scoped3A = tpu.sem_alloc : memref<!tpu.dma_semaphore, #tpu.memory_space<semaphore_mem>>
        %dma_start3A_36 = tpu.memref_slice %arg4[%mul3A_2] : memref<100000xi32, #tpu.memory_space<hbm>> -> memref<3200xi32, #tpu.memory_space<hbm>>
        %dma_start3A_37 = tpu.memref_slice %arg4[%mul3A_2] : memref<100000xi32, #tpu.memory_space<hbm>> -> memref<3200xi32, #tpu.memory_space<hbm>>
        tpu.enqueue_dma source(%dma_start3A_37 : memref<3200xi32, #tpu.memory_space<hbm>>) target(%arg9 : memref<3200xi32, #tpu.memory_space<vmem>>) target_semaphore(%run_scoped3A : memref<!tpu.dma_semaphore, #tpu.memory_space<semaphore_mem>>)
        %dma_wait3A_38 = tpu.memref_slice %arg4[%mul3A_2] : memref<100000xi32, #tpu.memory_space<hbm>> -> memref<3200xi32, #tpu.memory_space<hbm>>
        %dma_wait3A_39 = tpu.memref_slice %arg4[%mul3A_2] : memref<100000xi32, #tpu.memory_space<hbm>> -> memref<3200xi32, #tpu.memory_space<hbm>>
        tpu.wait_dma2 semaphore(%run_scoped3A : memref<!tpu.dma_semaphore, #tpu.memory_space<semaphore_mem>>) src(%dma_wait3A_39 : memref<3200xi32, #tpu.memory_space<hbm>>) dst(%arg9 : memref<3200xi32, #tpu.memory_space<vmem>>)
        tpu.yield
      }) : () -> ()
      %scan3A = arith.constant 0 : i32
      %scan3A_9 = arith.constant 0 : i32
      %scan3A_10 = arith.constant 2 : i32
      %scan3A_11 = arith.addi %scan3A_9, %scan3A_10 : i32
      %scan3A_12 = arith.constant 1 : i32
      scf.for %scan3A_36 = %scan3A_9 to %scan3A_11 step %scan3A_12  : i32 {
        %mul3A_37 = arith.constant 12 : i32
        %mul3A_38 = arith.muli %scan3A_36, %mul3A_37 : i32
        %add3A_39 = arith.constant 0 : i32
        %add3A_40 = arith.addi %mul3A_38, %add3A_39 : i32
        %mul3A_41 = arith.constant 128 : i32
        %mul3A_42 = arith.muli %add3A_40, %mul3A_41 : i32
        %add3A_43 = arith.constant 0 : i32
        %add3A_44 = arith.addi %mul3A_38, %add3A_43 : i32
        %mul3A_45 = arith.constant 128 : i32
        %mul3A_46 = arith.muli %add3A_44, %mul3A_45 : i32
        %dma_start3A_47 = tpu.memref_slice %arg10[%mul3A_46] : memref<3200xi32, #tpu.memory_space<vmem>> -> memref<128xi32, #tpu.memory_space<vmem>>
        %dma_start3A_48 = tpu.memref_slice %arg9[%mul3A_42] : memref<3200xi32, #tpu.memory_space<vmem>> -> memref<128xi32, #tpu.memory_space<vmem>>
        %dma_start3A_49 = arith.constant 0 : i32
        %dma_start3A_50 = tpu.memref_slice %arg5[%dma_start3A_49] : memref<1000xi32, #tpu.memory_space<hbm>> -> memref<1000xi32, #tpu.memory_space<hbm>>
        tpu.enqueue_indirect_dma source(%dma_start3A_50 : memref<1000xi32, #tpu.memory_space<hbm>>) target(%dma_start3A_47 : memref<128xi32, #tpu.memory_space<vmem>>) offsets(%dma_start3A_48 : memref<128xi32, #tpu.memory_space<vmem>>) semaphore(%arg36 : memref<!tpu.dma_semaphore, #tpu.memory_space<semaphore_mem>>)
        %add3A_51 = arith.constant 1 : i32
        %add3A_52 = arith.addi %mul3A_38, %add3A_51 : i32
        %mul3A_53 = arith.constant 128 : i32
        %mul3A_54 = arith.muli %add3A_52, %mul3A_53 : i32
        %add3A_55 = arith.constant 1 : i32
        %add3A_56 = arith.addi %mul3A_38, %add3A_55 : i32
        %mul3A_57 = arith.constant 128 : i32
        %mul3A_58 = arith.muli %add3A_56, %mul3A_57 : i32
        %dma_start3A_59 = tpu.memref_slice %arg10[%mul3A_58] : memref<3200xi32, #tpu.memory_space<vmem>> -> memref<128xi32, #tpu.memory_space<vmem>>
        %dma_start3A_60 = tpu.memref_slice %arg9[%mul3A_54] : memref<3200xi32, #tpu.memory_space<vmem>> -> memref<128xi32, #tpu.memory_space<vmem>>
        %dma_start3A_61 = arith.constant 0 : i32
        %dma_start3A_62 = tpu.memref_slice %arg5[%dma_start3A_61] : memref<1000xi32, #tpu.memory_space<hbm>> -> memref<1000xi32, #tpu.memory_space<hbm>>
        tpu.enqueue_indirect_dma source(%dma_start3A_62 : memref<1000xi32, #tpu.memory_space<hbm>>) target(%dma_start3A_59 : memref<128xi32, #tpu.memory_space<vmem>>) offsets(%dma_start3A_60 : memref<128xi32, #tpu.memory_space<vmem>>) semaphore(%arg36 : memref<!tpu.dma_semaphore, #tpu.memory_space<semaphore_mem>>)
        %add3A_63 = arith.constant 2 : i32
        %add3A_64 = arith.addi %mul3A_38, %add3A_63 : i32
        %mul3A_65 = arith.constant 128 : i32
        %mul3A_66 = arith.muli %add3A_64, %mul3A_65 : i32
        %add3A_67 = arith.constant 2 : i32
        %add3A_68 = arith.addi %mul3A_38, %add3A_67 : i32
        %mul3A_69 = arith.constant 128 : i32
        %mul3A_70 = arith.muli %add3A_68, %mul3A_69 : i32
        %dma_start3A_71 = tpu.memref_slice %arg10[%mul3A_70] : memref<3200xi32, #tpu.memory_space<vmem>> -> memref<128xi32, #tpu.memory_space<vmem>>
        %dma_start3A_72 = tpu.memref_slice %arg9[%mul3A_66] : memref<3200xi32, #tpu.memory_space<vmem>> -> memref<128xi32, #tpu.memory_space<vmem>>
        %dma_start3A_73 = arith.constant 0 : i32
        %dma_start3A_74 = tpu.memref_slice %arg5[%dma_start3A_73] : memref<1000xi32, #tpu.memory_space<hbm>> -> memref<1000xi32, #tpu.memory_space<hbm>>
        tpu.enqueue_indirect_dma source(%dma_start3A_74 : memref<1000xi32, #tpu.memory_space<hbm>>) target(%dma_start3A_71 : memref<128xi32, #tpu.memory_space<vmem>>) offsets(%dma_start3A_72 : memref<128xi32, #tpu.memory_space<vmem>>) semaphore(%arg36 : memref<!tpu.dma_semaphore, #tpu.memory_space<semaphore_mem>>)
        %add3A_75 = arith.constant 3 : i32
        %add3A_76 = arith.addi %mul3A_38, %add3A_75 : i32
        %mul3A_77 = arith.constant 128 : i32
        %mul3A_78 = arith.muli %add3A_76, %mul3A_77 : i32
        %add3A_79 = arith.constant 3 : i32
        %add3A_80 = arith.addi %mul3A_38, %add3A_79 : i32
        %mul3A_81 = arith.constant 128 : i32
        %mul3A_82 = arith.muli %add3A_80, %mul3A_81 : i32
        %dma_start3A_83 = tpu.memref_slice %arg10[%mul3A_82] : memref<3200xi32, #tpu.memory_space<vmem>> -> memref<128xi32, #tpu.memory_space<vmem>>
        %dma_start3A_84 = tpu.memref_slice %arg9[%mul3A_78] : memref<3200xi32, #tpu.memory_space<vmem>> -> memref<128xi32, #tpu.memory_space<vmem>>
        %dma_start3A_85 = arith.constant 0 : i32
        %dma_start3A_86 = tpu.memref_slice %arg5[%dma_start3A_85] : memref<1000xi32, #tpu.memory_space<hbm>> -> memref<1000xi32, #tpu.memory_space<hbm>>
        tpu.enqueue_indirect_dma source(%dma_start3A_86 : memref<1000xi32, #tpu.memory_space<hbm>>) target(%dma_start3A_83 : memref<128xi32, #tpu.memory_space<vmem>>) offsets(%dma_start3A_84 : memref<128xi32, #tpu.memory_space<vmem>>) semaphore(%arg36 : memref<!tpu.dma_semaphore, #tpu.memory_space<semaphore_mem>>)
        %add3A_87 = arith.constant 4 : i32
        %add3A_88 = arith.addi %mul3A_38, %add3A_87 : i32
        %mul3A_89 = arith.constant 128 : i32
        %mul3A_90 = arith.muli %add3A_88, %mul3A_89 : i32
        %add3A_91 = arith.constant 4 : i32
        %add3A_92 = arith.addi %mul3A_38, %add3A_91 : i32
        %mul3A_93 = arith.constant 128 : i32
        %mul3A_94 = arith.muli %add3A_92, %mul3A_93 : i32
        %dma_start3A_95 = tpu.memref_slice %arg10[%mul3A_94] : memref<3200xi32, #tpu.memory_space<vmem>> -> memref<128xi32, #tpu.memory_space<vmem>>
        %dma_start3A_96 = tpu.memref_slice %arg9[%mul3A_90] : memref<3200xi32, #tpu.memory_space<vmem>> -> memref<128xi32, #tpu.memory_space<vmem>>
        %dma_start3A_97 = arith.constant 0 : i32
        %dma_start3A_98 = tpu.memref_slice %arg5[%dma_start3A_97] : memref<1000xi32, #tpu.memory_space<hbm>> -> memref<1000xi32, #tpu.memory_space<hbm>>
        tpu.enqueue_indirect_dma source(%dma_start3A_98 : memref<1000xi32, #tpu.memory_space<hbm>>) target(%dma_start3A_95 : memref<128xi32, #tpu.memory_space<vmem>>) offsets(%dma_start3A_96 : memref<128xi32, #tpu.memory_space<vmem>>) semaphore(%arg36 : memref<!tpu.dma_semaphore, #tpu.memory_space<semaphore_mem>>)
        %add3A_99 = arith.constant 5 : i32
        %add3A_100 = arith.addi %mul3A_38, %add3A_99 : i32
        %mul3A_101 = arith.constant 128 : i32
        %mul3A_102 = arith.muli %add3A_100, %mul3A_101 : i32
        %add3A_103 = arith.constant 5 : i32
        %add3A_104 = arith.addi %mul3A_38, %add3A_103 : i32
        %mul3A_105 = arith.constant 128 : i32
        %mul3A_106 = arith.muli %add3A_104, %mul3A_105 : i32
        %dma_start3A_107 = tpu.memref_slice %arg10[%mul3A_106] : memref<3200xi32, #tpu.memory_space<vmem>> -> memref<128xi32, #tpu.memory_space<vmem>>
        %dma_start3A_108 = tpu.memref_slice %arg9[%mul3A_102] : memref<3200xi32, #tpu.memory_space<vmem>> -> memref<128xi32, #tpu.memory_space<vmem>>
        %dma_start3A_109 = arith.constant 0 : i32
        %dma_start3A_110 = tpu.memref_slice %arg5[%dma_start3A_109] : memref<1000xi32, #tpu.memory_space<hbm>> -> memref<1000xi32, #tpu.memory_space<hbm>>
        tpu.enqueue_indirect_dma source(%dma_start3A_110 : memref<1000xi32, #tpu.memory_space<hbm>>) target(%dma_start3A_107 : memref<128xi32, #tpu.memory_space<vmem>>) offsets(%dma_start3A_108 : memref<128xi32, #tpu.memory_space<vmem>>) semaphore(%arg36 : memref<!tpu.dma_semaphore, #tpu.memory_space<semaphore_mem>>)
        %add3A_111 = arith.constant 6 : i32
        %add3A_112 = arith.addi %mul3A_38, %add3A_111 : i32
        %mul3A_113 = arith.constant 128 : i32
        %mul3A_114 = arith.muli %add3A_112, %mul3A_113 : i32
        %add3A_115 = arith.constant 6 : i32
        %add3A_116 = arith.addi %mul3A_38, %add3A_115 : i32
        %mul3A_117 = arith.constant 128 : i32
        %mul3A_118 = arith.muli %add3A_116, %mul3A_117 : i32
        %dma_start3A_119 = tpu.memref_slice %arg10[%mul3A_118] : memref<3200xi32, #tpu.memory_space<vmem>> -> memref<128xi32, #tpu.memory_space<vmem>>
        %dma_start3A_120 = tpu.memref_slice %arg9[%mul3A_114] : memref<3200xi32, #tpu.memory_space<vmem>> -> memref<128xi32, #tpu.memory_space<vmem>>
        %dma_start3A_121 = arith.constant 0 : i32
        %dma_start3A_122 = tpu.memref_slice %arg5[%dma_start3A_121] : memref<1000xi32, #tpu.memory_space<hbm>> -> memref<1000xi32, #tpu.memory_space<hbm>>
        tpu.enqueue_indirect_dma source(%dma_start3A_122 : memref<1000xi32, #tpu.memory_space<hbm>>) target(%dma_start3A_119 : memref<128xi32, #tpu.memory_space<vmem>>) offsets(%dma_start3A_120 : memref<128xi32, #tpu.memory_space<vmem>>) semaphore(%arg36 : memref<!tpu.dma_semaphore, #tpu.memory_space<semaphore_mem>>)
        %add3A_123 = arith.constant 7 : i32
        %add3A_124 = arith.addi %mul3A_38, %add3A_123 : i32
        %mul3A_125 = arith.constant 128 : i32
        %mul3A_126 = arith.muli %add3A_124, %mul3A_125 : i32
        %add3A_127 = arith.constant 7 : i32
        %add3A_128 = arith.addi %mul3A_38, %add3A_127 : i32
        %mul3A_129 = arith.constant 128 : i32
        %mul3A_130 = arith.muli %add3A_128, %mul3A_129 : i32
        %dma_start3A_131 = tpu.memref_slice %arg10[%mul3A_130] : memref<3200xi32, #tpu.memory_space<vmem>> -> memref<128xi32, #tpu.memory_space<vmem>>
        %dma_start3A_132 = tpu.memref_slice %arg9[%mul3A_126] : memref<3200xi32, #tpu.memory_space<vmem>> -> memref<128xi32, #tpu.memory_space<vmem>>
        %dma_start3A_133 = arith.constant 0 : i32
        %dma_start3A_134 = tpu.memref_slice %arg5[%dma_start3A_133] : memref<1000xi32, #tpu.memory_space<hbm>> -> memref<1000xi32, #tpu.memory_space<hbm>>
        tpu.enqueue_indirect_dma source(%dma_start3A_134 : memref<1000xi32, #tpu.memory_space<hbm>>) target(%dma_start3A_131 : memref<128xi32, #tpu.memory_space<vmem>>) offsets(%dma_start3A_132 : memref<128xi32, #tpu.memory_space<vmem>>) semaphore(%arg36 : memref<!tpu.dma_semaphore, #tpu.memory_space<semaphore_mem>>)
        %add3A_135 = arith.constant 8 : i32
        %add3A_136 = arith.addi %mul3A_38, %add3A_135 : i32
        %mul3A_137 = arith.constant 128 : i32
        %mul3A_138 = arith.muli %add3A_136, %mul3A_137 : i32
        %add3A_139 = arith.constant 8 : i32
        %add3A_140 = arith.addi %mul3A_38, %add3A_139 : i32
        %mul3A_141 = arith.constant 128 : i32
        %mul3A_142 = arith.muli %add3A_140, %mul3A_141 : i32
        %dma_start3A_143 = tpu.memref_slice %arg10[%mul3A_142] : memref<3200xi32, #tpu.memory_space<vmem>> -> memref<128xi32, #tpu.memory_space<vmem>>
        %dma_start3A_144 = tpu.memref_slice %arg9[%mul3A_138] : memref<3200xi32, #tpu.memory_space<vmem>> -> memref<128xi32, #tpu.memory_space<vmem>>
        %dma_start3A_145 = arith.constant 0 : i32
        %dma_start3A_146 = tpu.memref_slice %arg5[%dma_start3A_145] : memref<1000xi32, #tpu.memory_space<hbm>> -> memref<1000xi32, #tpu.memory_space<hbm>>
        tpu.enqueue_indirect_dma source(%dma_start3A_146 : memref<1000xi32, #tpu.memory_space<hbm>>) target(%dma_start3A_143 : memref<128xi32, #tpu.memory_space<vmem>>) offsets(%dma_start3A_144 : memref<128xi32, #tpu.memory_space<vmem>>) semaphore(%arg36 : memref<!tpu.dma_semaphore, #tpu.memory_space<semaphore_mem>>)
        %add3A_147 = arith.constant 9 : i32
        %add3A_148 = arith.addi %mul3A_38, %add3A_147 : i32
        %mul3A_149 = arith.constant 128 : i32
        %mul3A_150 = arith.muli %add3A_148, %mul3A_149 : i32
        %add3A_151 = arith.constant 9 : i32
        %add3A_152 = arith.addi %mul3A_38, %add3A_151 : i32
        %mul3A_153 = arith.constant 128 : i32
        %mul3A_154 = arith.muli %add3A_152, %mul3A_153 : i32
        %dma_start3A_155 = tpu.memref_slice %arg10[%mul3A_154] : memref<3200xi32, #tpu.memory_space<vmem>> -> memref<128xi32, #tpu.memory_space<vmem>>
        %dma_start3A_156 = tpu.memref_slice %arg9[%mul3A_150] : memref<3200xi32, #tpu.memory_space<vmem>> -> memref<128xi32, #tpu.memory_space<vmem>>
        %dma_start3A_157 = arith.constant 0 : i32
        %dma_start3A_158 = tpu.memref_slice %arg5[%dma_start3A_157] : memref<1000xi32, #tpu.memory_space<hbm>> -> memref<1000xi32, #tpu.memory_space<hbm>>
        tpu.enqueue_indirect_dma source(%dma_start3A_158 : memref<1000xi32, #tpu.memory_space<hbm>>) target(%dma_start3A_155 : memref<128xi32, #tpu.memory_space<vmem>>) offsets(%dma_start3A_156 : memref<128xi32, #tpu.memory_space<vmem>>) semaphore(%arg36 : memref<!tpu.dma_semaphore, #tpu.memory_space<semaphore_mem>>)
        %add3A_159 = arith.constant 10 : i32
        %add3A_160 = arith.addi %mul3A_38, %add3A_159 : i32
        %mul3A_161 = arith.constant 128 : i32
        %mul3A_162 = arith.muli %add3A_160, %mul3A_161 : i32
        %add3A_163 = arith.constant 10 : i32
        %add3A_164 = arith.addi %mul3A_38, %add3A_163 : i32
        %mul3A_165 = arith.constant 128 : i32
        %mul3A_166 = arith.muli %add3A_164, %mul3A_165 : i32
        %dma_start3A_167 = tpu.memref_slice %arg10[%mul3A_166] : memref<3200xi32, #tpu.memory_space<vmem>> -> memref<128xi32, #tpu.memory_space<vmem>>
        %dma_start3A_168 = tpu.memref_slice %arg9[%mul3A_162] : memref<3200xi32, #tpu.memory_space<vmem>> -> memref<128xi32, #tpu.memory_space<vmem>>
        %dma_start3A_169 = arith.constant 0 : i32
        %dma_start3A_170 = tpu.memref_slice %arg5[%dma_start3A_169] : memref<1000xi32, #tpu.memory_space<hbm>> -> memref<1000xi32, #tpu.memory_space<hbm>>
        tpu.enqueue_indirect_dma source(%dma_start3A_170 : memref<1000xi32, #tpu.memory_space<hbm>>) target(%dma_start3A_167 : memref<128xi32, #tpu.memory_space<vmem>>) offsets(%dma_start3A_168 : memref<128xi32, #tpu.memory_space<vmem>>) semaphore(%arg36 : memref<!tpu.dma_semaphore, #tpu.memory_space<semaphore_mem>>)
        %add3A_171 = arith.constant 11 : i32
        %add3A_172 = arith.addi %mul3A_38, %add3A_171 : i32
        %mul3A_173 = arith.constant 128 : i32
        %mul3A_174 = arith.muli %add3A_172, %mul3A_173 : i32
        %add3A_175 = arith.constant 11 : i32
        %add3A_176 = arith.addi %mul3A_38, %add3A_175 : i32
        %mul3A_177 = arith.constant 128 : i32
        %mul3A_178 = arith.muli %add3A_176, %mul3A_177 : i32
        %dma_start3A_179 = tpu.memref_slice %arg10[%mul3A_178] : memref<3200xi32, #tpu.memory_space<vmem>> -> memref<128xi32, #tpu.memory_space<vmem>>
        %dma_start3A_180 = tpu.memref_slice %arg9[%mul3A_174] : memref<3200xi32, #tpu.memory_space<vmem>> -> memref<128xi32, #tpu.memory_space<vmem>>
        %dma_start3A_181 = arith.constant 0 : i32
        %dma_start3A_182 = tpu.memref_slice %arg5[%dma_start3A_181] : memref<1000xi32, #tpu.memory_space<hbm>> -> memref<1000xi32, #tpu.memory_space<hbm>>
        tpu.enqueue_indirect_dma source(%dma_start3A_182 : memref<1000xi32, #tpu.memory_space<hbm>>) target(%dma_start3A_179 : memref<128xi32, #tpu.memory_space<vmem>>) offsets(%dma_start3A_180 : memref<128xi32, #tpu.memory_space<vmem>>) semaphore(%arg36 : memref<!tpu.dma_semaphore, #tpu.memory_space<semaphore_mem>>)
        %add3A_183 = arith.constant 0 : i32
        %add3A_184 = arith.addi %mul3A_38, %add3A_183 : i32
        %mul3A_185 = arith.constant 128 : i32
        %mul3A_186 = arith.muli %add3A_184, %mul3A_185 : i32
        %dma_start3A_187 = tpu.memref_slice %arg8[%mul3A_186] : memref<3200xi32, #tpu.memory_space<vmem>> -> memref<128xi32, #tpu.memory_space<vmem>>
        %dma_start3A_188 = arith.constant 0 : i32
        %dma_start3A_189 = arith.constant 0 : i32
        %dma_start3A_190 = tpu.memref_slice %arg2[%dma_start3A_188, %dma_start3A_189] : memref<100000x64xf32, #tpu.memory_space<hbm>> -> memref<100000x64xf32, #tpu.memory_space<hbm>>
        tpu.enqueue_indirect_dma source(%dma_start3A_190 : memref<100000x64xf32, #tpu.memory_space<hbm>>) target(%arg11 : memref<128x64xf32, #tpu.memory_space<vmem>>) offsets(%dma_start3A_187 : memref<128xi32, #tpu.memory_space<vmem>>) semaphore(%arg23 : memref<!tpu.dma_semaphore, #tpu.memory_space<semaphore_mem>>)
        %add3A_191 = arith.constant 1 : i32
        %add3A_192 = arith.addi %mul3A_38, %add3A_191 : i32
        %mul3A_193 = arith.constant 128 : i32
        %mul3A_194 = arith.muli %add3A_192, %mul3A_193 : i32
        %dma_start3A_195 = tpu.memref_slice %arg8[%mul3A_194] : memref<3200xi32, #tpu.memory_space<vmem>> -> memref<128xi32, #tpu.memory_space<vmem>>
        %dma_start3A_196 = arith.constant 0 : i32
        %dma_start3A_197 = arith.constant 0 : i32
        %dma_start3A_198 = tpu.memref_slice %arg2[%dma_start3A_196, %dma_start3A_197] : memref<100000x64xf32, #tpu.memory_space<hbm>> -> memref<100000x64xf32, #tpu.memory_space<hbm>>
        tpu.enqueue_indirect_dma source(%dma_start3A_198 : memref<100000x64xf32, #tpu.memory_space<hbm>>) target(%arg12 : memref<128x64xf32, #tpu.memory_space<vmem>>) offsets(%dma_start3A_195 : memref<128xi32, #tpu.memory_space<vmem>>) semaphore(%arg24 : memref<!tpu.dma_semaphore, #tpu.memory_space<semaphore_mem>>)
        %add3A_199 = arith.constant 2 : i32
        %add3A_200 = arith.addi %mul3A_38, %add3A_199 : i32
        %mul3A_201 = arith.constant 128 : i32
        %mul3A_202 = arith.muli %add3A_200, %mul3A_201 : i32
        %dma_start3A_203 = tpu.memref_slice %arg8[%mul3A_202] : memref<3200xi32, #tpu.memory_space<vmem>> -> memref<128xi32, #tpu.memory_space<vmem>>
        %dma_start3A_204 = arith.constant 0 : i32
        %dma_start3A_205 = arith.constant 0 : i32
        %dma_start3A_206 = tpu.memref_slice %arg2[%dma_start3A_204, %dma_start3A_205] : memref<100000x64xf32, #tpu.memory_space<hbm>> -> memref<100000x64xf32, #tpu.memory_space<hbm>>
        tpu.enqueue_indirect_dma source(%dma_start3A_206 : memref<100000x64xf32, #tpu.memory_space<hbm>>) target(%arg13 : memref<128x64xf32, #tpu.memory_space<vmem>>) offsets(%dma_start3A_203 : memref<128xi32, #tpu.memory_space<vmem>>) semaphore(%arg25 : memref<!tpu.dma_semaphore, #tpu.memory_space<semaphore_mem>>)
        %add3A_207 = arith.constant 3 : i32
        %add3A_208 = arith.addi %mul3A_38, %add3A_207 : i32
        %mul3A_209 = arith.constant 128 : i32
        %mul3A_210 = arith.muli %add3A_208, %mul3A_209 : i32
        %dma_start3A_211 = tpu.memref_slice %arg8[%mul3A_210] : memref<3200xi32, #tpu.memory_space<vmem>> -> memref<128xi32, #tpu.memory_space<vmem>>
        %dma_start3A_212 = arith.constant 0 : i32
        %dma_start3A_213 = arith.constant 0 : i32
        %dma_start3A_214 = tpu.memref_slice %arg2[%dma_start3A_212, %dma_start3A_213] : memref<100000x64xf32, #tpu.memory_space<hbm>> -> memref<100000x64xf32, #tpu.memory_space<hbm>>
        tpu.enqueue_indirect_dma source(%dma_start3A_214 : memref<100000x64xf32, #tpu.memory_space<hbm>>) target(%arg14 : memref<128x64xf32, #tpu.memory_space<vmem>>) offsets(%dma_start3A_211 : memref<128xi32, #tpu.memory_space<vmem>>) semaphore(%arg26 : memref<!tpu.dma_semaphore, #tpu.memory_space<semaphore_mem>>)
        %add3A_215 = arith.constant 4 : i32
        %add3A_216 = arith.addi %mul3A_38, %add3A_215 : i32
        %mul3A_217 = arith.constant 128 : i32
        %mul3A_218 = arith.muli %add3A_216, %mul3A_217 : i32
        %dma_start3A_219 = tpu.memref_slice %arg8[%mul3A_218] : memref<3200xi32, #tpu.memory_space<vmem>> -> memref<128xi32, #tpu.memory_space<vmem>>
        %dma_start3A_220 = arith.constant 0 : i32
        %dma_start3A_221 = arith.constant 0 : i32
        %dma_start3A_222 = tpu.memref_slice %arg2[%dma_start3A_220, %dma_start3A_221] : memref<100000x64xf32, #tpu.memory_space<hbm>> -> memref<100000x64xf32, #tpu.memory_space<hbm>>
        tpu.enqueue_indirect_dma source(%dma_start3A_222 : memref<100000x64xf32, #tpu.memory_space<hbm>>) target(%arg15 : memref<128x64xf32, #tpu.memory_space<vmem>>) offsets(%dma_start3A_219 : memref<128xi32, #tpu.memory_space<vmem>>) semaphore(%arg27 : memref<!tpu.dma_semaphore, #tpu.memory_space<semaphore_mem>>)
        %add3A_223 = arith.constant 5 : i32
        %add3A_224 = arith.addi %mul3A_38, %add3A_223 : i32
        %mul3A_225 = arith.constant 128 : i32
        %mul3A_226 = arith.muli %add3A_224, %mul3A_225 : i32
        %dma_start3A_227 = tpu.memref_slice %arg8[%mul3A_226] : memref<3200xi32, #tpu.memory_space<vmem>> -> memref<128xi32, #tpu.memory_space<vmem>>
        %dma_start3A_228 = arith.constant 0 : i32
        %dma_start3A_229 = arith.constant 0 : i32
        %dma_start3A_230 = tpu.memref_slice %arg2[%dma_start3A_228, %dma_start3A_229] : memref<100000x64xf32, #tpu.memory_space<hbm>> -> memref<100000x64xf32, #tpu.memory_space<hbm>>
        tpu.enqueue_indirect_dma source(%dma_start3A_230 : memref<100000x64xf32, #tpu.memory_space<hbm>>) target(%arg16 : memref<128x64xf32, #tpu.memory_space<vmem>>) offsets(%dma_start3A_227 : memref<128xi32, #tpu.memory_space<vmem>>) semaphore(%arg28 : memref<!tpu.dma_semaphore, #tpu.memory_space<semaphore_mem>>)
        %add3A_231 = arith.constant 6 : i32
        %add3A_232 = arith.addi %mul3A_38, %add3A_231 : i32
        %mul3A_233 = arith.constant 128 : i32
        %mul3A_234 = arith.muli %add3A_232, %mul3A_233 : i32
        %dma_start3A_235 = tpu.memref_slice %arg8[%mul3A_234] : memref<3200xi32, #tpu.memory_space<vmem>> -> memref<128xi32, #tpu.memory_space<vmem>>
        %dma_start3A_236 = arith.constant 0 : i32
        %dma_start3A_237 = arith.constant 0 : i32
        %dma_start3A_238 = tpu.memref_slice %arg2[%dma_start3A_236, %dma_start3A_237] : memref<100000x64xf32, #tpu.memory_space<hbm>> -> memref<100000x64xf32, #tpu.memory_space<hbm>>
        tpu.enqueue_indirect_dma source(%dma_start3A_238 : memref<100000x64xf32, #tpu.memory_space<hbm>>) target(%arg17 : memref<128x64xf32, #tpu.memory_space<vmem>>) offsets(%dma_start3A_235 : memref<128xi32, #tpu.memory_space<vmem>>) semaphore(%arg29 : memref<!tpu.dma_semaphore, #tpu.memory_space<semaphore_mem>>)
        %add3A_239 = arith.constant 7 : i32
        %add3A_240 = arith.addi %mul3A_38, %add3A_239 : i32
        %mul3A_241 = arith.constant 128 : i32
        %mul3A_242 = arith.muli %add3A_240, %mul3A_241 : i32
        %dma_start3A_243 = tpu.memref_slice %arg8[%mul3A_242] : memref<3200xi32, #tpu.memory_space<vmem>> -> memref<128xi32, #tpu.memory_space<vmem>>
        %dma_start3A_244 = arith.constant 0 : i32
        %dma_start3A_245 = arith.constant 0 : i32
        %dma_start3A_246 = tpu.memref_slice %arg2[%dma_start3A_244, %dma_start3A_245] : memref<100000x64xf32, #tpu.memory_space<hbm>> -> memref<100000x64xf32, #tpu.memory_space<hbm>>
        tpu.enqueue_indirect_dma source(%dma_start3A_246 : memref<100000x64xf32, #tpu.memory_space<hbm>>) target(%arg18 : memref<128x64xf32, #tpu.memory_space<vmem>>) offsets(%dma_start3A_243 : memref<128xi32, #tpu.memory_space<vmem>>) semaphore(%arg30 : memref<!tpu.dma_semaphore, #tpu.memory_space<semaphore_mem>>)
        %add3A_247 = arith.constant 8 : i32
        %add3A_248 = arith.addi %mul3A_38, %add3A_247 : i32
        %mul3A_249 = arith.constant 128 : i32
        %mul3A_250 = arith.muli %add3A_248, %mul3A_249 : i32
        %dma_start3A_251 = tpu.memref_slice %arg8[%mul3A_250] : memref<3200xi32, #tpu.memory_space<vmem>> -> memref<128xi32, #tpu.memory_space<vmem>>
        %dma_start3A_252 = arith.constant 0 : i32
        %dma_start3A_253 = arith.constant 0 : i32
        %dma_start3A_254 = tpu.memref_slice %arg2[%dma_start3A_252, %dma_start3A_253] : memref<100000x64xf32, #tpu.memory_space<hbm>> -> memref<100000x64xf32, #tpu.memory_space<hbm>>
        tpu.enqueue_indirect_dma source(%dma_start3A_254 : memref<100000x64xf32, #tpu.memory_space<hbm>>) target(%arg19 : memref<128x64xf32, #tpu.memory_space<vmem>>) offsets(%dma_start3A_251 : memref<128xi32, #tpu.memory_space<vmem>>) semaphore(%arg31 : memref<!tpu.dma_semaphore, #tpu.memory_space<semaphore_mem>>)
        %add3A_255 = arith.constant 9 : i32
        %add3A_256 = arith.addi %mul3A_38, %add3A_255 : i32
        %mul3A_257 = arith.constant 128 : i32
        %mul3A_258 = arith.muli %add3A_256, %mul3A_257 : i32
        %dma_start3A_259 = tpu.memref_slice %arg8[%mul3A_258] : memref<3200xi32, #tpu.memory_space<vmem>> -> memref<128xi32, #tpu.memory_space<vmem>>
        %dma_start3A_260 = arith.constant 0 : i32
        %dma_start3A_261 = arith.constant 0 : i32
        %dma_start3A_262 = tpu.memref_slice %arg2[%dma_start3A_260, %dma_start3A_261] : memref<100000x64xf32, #tpu.memory_space<hbm>> -> memref<100000x64xf32, #tpu.memory_space<hbm>>
        tpu.enqueue_indirect_dma source(%dma_start3A_262 : memref<100000x64xf32, #tpu.memory_space<hbm>>) target(%arg20 : memref<128x64xf32, #tpu.memory_space<vmem>>) offsets(%dma_start3A_259 : memref<128xi32, #tpu.memory_space<vmem>>) semaphore(%arg32 : memref<!tpu.dma_semaphore, #tpu.memory_space<semaphore_mem>>)
        %add3A_263 = arith.constant 10 : i32
        %add3A_264 = arith.addi %mul3A_38, %add3A_263 : i32
        %mul3A_265 = arith.constant 128 : i32
        %mul3A_266 = arith.muli %add3A_264, %mul3A_265 : i32
        %dma_start3A_267 = tpu.memref_slice %arg8[%mul3A_266] : memref<3200xi32, #tpu.memory_space<vmem>> -> memref<128xi32, #tpu.memory_space<vmem>>
        %dma_start3A_268 = arith.constant 0 : i32
        %dma_start3A_269 = arith.constant 0 : i32
        %dma_start3A_270 = tpu.memref_slice %arg2[%dma_start3A_268, %dma_start3A_269] : memref<100000x64xf32, #tpu.memory_space<hbm>> -> memref<100000x64xf32, #tpu.memory_space<hbm>>
        tpu.enqueue_indirect_dma source(%dma_start3A_270 : memref<100000x64xf32, #tpu.memory_space<hbm>>) target(%arg21 : memref<128x64xf32, #tpu.memory_space<vmem>>) offsets(%dma_start3A_267 : memref<128xi32, #tpu.memory_space<vmem>>) semaphore(%arg33 : memref<!tpu.dma_semaphore, #tpu.memory_space<semaphore_mem>>)
        %add3A_271 = arith.constant 11 : i32
        %add3A_272 = arith.addi %mul3A_38, %add3A_271 : i32
        %mul3A_273 = arith.constant 128 : i32
        %mul3A_274 = arith.muli %add3A_272, %mul3A_273 : i32
        %dma_start3A_275 = tpu.memref_slice %arg8[%mul3A_274] : memref<3200xi32, #tpu.memory_space<vmem>> -> memref<128xi32, #tpu.memory_space<vmem>>
        %dma_start3A_276 = arith.constant 0 : i32
        %dma_start3A_277 = arith.constant 0 : i32
        %dma_start3A_278 = tpu.memref_slice %arg2[%dma_start3A_276, %dma_start3A_277] : memref<100000x64xf32, #tpu.memory_space<hbm>> -> memref<100000x64xf32, #tpu.memory_space<hbm>>
        tpu.enqueue_indirect_dma source(%dma_start3A_278 : memref<100000x64xf32, #tpu.memory_space<hbm>>) target(%arg22 : memref<128x64xf32, #tpu.memory_space<vmem>>) offsets(%dma_start3A_275 : memref<128xi32, #tpu.memory_space<vmem>>) semaphore(%arg34 : memref<!tpu.dma_semaphore, #tpu.memory_space<semaphore_mem>>)
        %dma_wait3A_279 = tpu.memref_slice %arg8[%mul3A_186] : memref<3200xi32, #tpu.memory_space<vmem>> -> memref<128xi32, #tpu.memory_space<vmem>>
        %dma_wait3A_280 = arith.constant 0 : i32
        %dma_wait3A_281 = arith.constant 0 : i32
        %dma_wait3A_282 = tpu.memref_slice %arg2[%dma_wait3A_280, %dma_wait3A_281] : memref<100000x64xf32, #tpu.memory_space<hbm>> -> memref<100000x64xf32, #tpu.memory_space<hbm>>
        tpu.wait_indirect_dma semaphore(%arg23 : memref<!tpu.dma_semaphore, #tpu.memory_space<semaphore_mem>>) src(%dma_wait3A_282 : memref<100000x64xf32, #tpu.memory_space<hbm>>) dst(%arg11 : memref<128x64xf32, #tpu.memory_space<vmem>>)
        %add3A_283 = arith.constant 0 : i32
        %add3A_284 = arith.addi %mul3A_38, %add3A_283 : i32
        %mul3A_285 = arith.constant 128 : i32
        %mul3A_286 = arith.muli %add3A_284, %mul3A_285 : i32
        %add3A_287 = arith.addi %mul3A_2, %mul3A_286 : i32
        %dma_start3A_288 = arith.constant 0 : i32
        %dma_start3A_289 = tpu.memref_slice %arg6[%add3A_287, %dma_start3A_288] : memref<100000x64xf32, #tpu.memory_space<hbm>> -> memref<128x64xf32, #tpu.memory_space<hbm>>
        %dma_start3A_290 = arith.constant 0 : i32
        %dma_start3A_291 = tpu.memref_slice %arg6[%add3A_287, %dma_start3A_290] : memref<100000x64xf32, #tpu.memory_space<hbm>> -> memref<128x64xf32, #tpu.memory_space<hbm>>
        tpu.enqueue_dma source(%arg11 : memref<128x64xf32, #tpu.memory_space<vmem>>) target(%dma_start3A_291 : memref<128x64xf32, #tpu.memory_space<hbm>>) target_semaphore(%arg35 : memref<!tpu.dma_semaphore, #tpu.memory_space<semaphore_mem>>)
        %dma_wait3A_292 = tpu.memref_slice %arg8[%mul3A_194] : memref<3200xi32, #tpu.memory_space<vmem>> -> memref<128xi32, #tpu.memory_space<vmem>>
        %dma_wait3A_293 = arith.constant 0 : i32
        %dma_wait3A_294 = arith.constant 0 : i32
        %dma_wait3A_295 = tpu.memref_slice %arg2[%dma_wait3A_293, %dma_wait3A_294] : memref<100000x64xf32, #tpu.memory_space<hbm>> -> memref<100000x64xf32, #tpu.memory_space<hbm>>
        tpu.wait_indirect_dma semaphore(%arg24 : memref<!tpu.dma_semaphore, #tpu.memory_space<semaphore_mem>>) src(%dma_wait3A_295 : memref<100000x64xf32, #tpu.memory_space<hbm>>) dst(%arg12 : memref<128x64xf32, #tpu.memory_space<vmem>>)
        %add3A_296 = arith.constant 1 : i32
        %add3A_297 = arith.addi %mul3A_38, %add3A_296 : i32
        %mul3A_298 = arith.constant 128 : i32
        %mul3A_299 = arith.muli %add3A_297, %mul3A_298 : i32
        %add3A_300 = arith.addi %mul3A_2, %mul3A_299 : i32
        %dma_start3A_301 = arith.constant 0 : i32
        %dma_start3A_302 = tpu.memref_slice %arg6[%add3A_300, %dma_start3A_301] : memref<100000x64xf32, #tpu.memory_space<hbm>> -> memref<128x64xf32, #tpu.memory_space<hbm>>
        %dma_start3A_303 = arith.constant 0 : i32
        %dma_start3A_304 = tpu.memref_slice %arg6[%add3A_300, %dma_start3A_303] : memref<100000x64xf32, #tpu.memory_space<hbm>> -> memref<128x64xf32, #tpu.memory_space<hbm>>
        tpu.enqueue_dma source(%arg12 : memref<128x64xf32, #tpu.memory_space<vmem>>) target(%dma_start3A_304 : memref<128x64xf32, #tpu.memory_space<hbm>>) target_semaphore(%arg35 : memref<!tpu.dma_semaphore, #tpu.memory_space<semaphore_mem>>)
        %dma_wait3A_305 = tpu.memref_slice %arg8[%mul3A_202] : memref<3200xi32, #tpu.memory_space<vmem>> -> memref<128xi32, #tpu.memory_space<vmem>>
        %dma_wait3A_306 = arith.constant 0 : i32
        %dma_wait3A_307 = arith.constant 0 : i32
        %dma_wait3A_308 = tpu.memref_slice %arg2[%dma_wait3A_306, %dma_wait3A_307] : memref<100000x64xf32, #tpu.memory_space<hbm>> -> memref<100000x64xf32, #tpu.memory_space<hbm>>
        tpu.wait_indirect_dma semaphore(%arg25 : memref<!tpu.dma_semaphore, #tpu.memory_space<semaphore_mem>>) src(%dma_wait3A_308 : memref<100000x64xf32, #tpu.memory_space<hbm>>) dst(%arg13 : memref<128x64xf32, #tpu.memory_space<vmem>>)
        %add3A_309 = arith.constant 2 : i32
        %add3A_310 = arith.addi %mul3A_38, %add3A_309 : i32
        %mul3A_311 = arith.constant 128 : i32
        %mul3A_312 = arith.muli %add3A_310, %mul3A_311 : i32
        %add3A_313 = arith.addi %mul3A_2, %mul3A_312 : i32
        %dma_start3A_314 = arith.constant 0 : i32
        %dma_start3A_315 = tpu.memref_slice %arg6[%add3A_313, %dma_start3A_314] : memref<100000x64xf32, #tpu.memory_space<hbm>> -> memref<128x64xf32, #tpu.memory_space<hbm>>
        %dma_start3A_316 = arith.constant 0 : i32
        %dma_start3A_317 = tpu.memref_slice %arg6[%add3A_313, %dma_start3A_316] : memref<100000x64xf32, #tpu.memory_space<hbm>> -> memref<128x64xf32, #tpu.memory_space<hbm>>
        tpu.enqueue_dma source(%arg13 : memref<128x64xf32, #tpu.memory_space<vmem>>) target(%dma_start3A_317 : memref<128x64xf32, #tpu.memory_space<hbm>>) target_semaphore(%arg35 : memref<!tpu.dma_semaphore, #tpu.memory_space<semaphore_mem>>)
        %dma_wait3A_318 = tpu.memref_slice %arg8[%mul3A_210] : memref<3200xi32, #tpu.memory_space<vmem>> -> memref<128xi32, #tpu.memory_space<vmem>>
        %dma_wait3A_319 = arith.constant 0 : i32
        %dma_wait3A_320 = arith.constant 0 : i32
        %dma_wait3A_321 = tpu.memref_slice %arg2[%dma_wait3A_319, %dma_wait3A_320] : memref<100000x64xf32, #tpu.memory_space<hbm>> -> memref<100000x64xf32, #tpu.memory_space<hbm>>
        tpu.wait_indirect_dma semaphore(%arg26 : memref<!tpu.dma_semaphore, #tpu.memory_space<semaphore_mem>>) src(%dma_wait3A_321 : memref<100000x64xf32, #tpu.memory_space<hbm>>) dst(%arg14 : memref<128x64xf32, #tpu.memory_space<vmem>>)
        %add3A_322 = arith.constant 3 : i32
        %add3A_323 = arith.addi %mul3A_38, %add3A_322 : i32
        %mul3A_324 = arith.constant 128 : i32
        %mul3A_325 = arith.muli %add3A_323, %mul3A_324 : i32
        %add3A_326 = arith.addi %mul3A_2, %mul3A_325 : i32
        %dma_start3A_327 = arith.constant 0 : i32
        %dma_start3A_328 = tpu.memref_slice %arg6[%add3A_326, %dma_start3A_327] : memref<100000x64xf32, #tpu.memory_space<hbm>> -> memref<128x64xf32, #tpu.memory_space<hbm>>
        %dma_start3A_329 = arith.constant 0 : i32
        %dma_start3A_330 = tpu.memref_slice %arg6[%add3A_326, %dma_start3A_329] : memref<100000x64xf32, #tpu.memory_space<hbm>> -> memref<128x64xf32, #tpu.memory_space<hbm>>
        tpu.enqueue_dma source(%arg14 : memref<128x64xf32, #tpu.memory_space<vmem>>) target(%dma_start3A_330 : memref<128x64xf32, #tpu.memory_space<hbm>>) target_semaphore(%arg35 : memref<!tpu.dma_semaphore, #tpu.memory_space<semaphore_mem>>)
        %dma_wait3A_331 = tpu.memref_slice %arg8[%mul3A_218] : memref<3200xi32, #tpu.memory_space<vmem>> -> memref<128xi32, #tpu.memory_space<vmem>>
        %dma_wait3A_332 = arith.constant 0 : i32
        %dma_wait3A_333 = arith.constant 0 : i32
        %dma_wait3A_334 = tpu.memref_slice %arg2[%dma_wait3A_332, %dma_wait3A_333] : memref<100000x64xf32, #tpu.memory_space<hbm>> -> memref<100000x64xf32, #tpu.memory_space<hbm>>
        tpu.wait_indirect_dma semaphore(%arg27 : memref<!tpu.dma_semaphore, #tpu.memory_space<semaphore_mem>>) src(%dma_wait3A_334 : memref<100000x64xf32, #tpu.memory_space<hbm>>) dst(%arg15 : memref<128x64xf32, #tpu.memory_space<vmem>>)
        %add3A_335 = arith.constant 4 : i32
        %add3A_336 = arith.addi %mul3A_38, %add3A_335 : i32
        %mul3A_337 = arith.constant 128 : i32
        %mul3A_338 = arith.muli %add3A_336, %mul3A_337 : i32
        %add3A_339 = arith.addi %mul3A_2, %mul3A_338 : i32
        %dma_start3A_340 = arith.constant 0 : i32
        %dma_start3A_341 = tpu.memref_slice %arg6[%add3A_339, %dma_start3A_340] : memref<100000x64xf32, #tpu.memory_space<hbm>> -> memref<128x64xf32, #tpu.memory_space<hbm>>
        %dma_start3A_342 = arith.constant 0 : i32
        %dma_start3A_343 = tpu.memref_slice %arg6[%add3A_339, %dma_start3A_342] : memref<100000x64xf32, #tpu.memory_space<hbm>> -> memref<128x64xf32, #tpu.memory_space<hbm>>
        tpu.enqueue_dma source(%arg15 : memref<128x64xf32, #tpu.memory_space<vmem>>) target(%dma_start3A_343 : memref<128x64xf32, #tpu.memory_space<hbm>>) target_semaphore(%arg35 : memref<!tpu.dma_semaphore, #tpu.memory_space<semaphore_mem>>)
        %dma_wait3A_344 = tpu.memref_slice %arg8[%mul3A_226] : memref<3200xi32, #tpu.memory_space<vmem>> -> memref<128xi32, #tpu.memory_space<vmem>>
        %dma_wait3A_345 = arith.constant 0 : i32
        %dma_wait3A_346 = arith.constant 0 : i32
        %dma_wait3A_347 = tpu.memref_slice %arg2[%dma_wait3A_345, %dma_wait3A_346] : memref<100000x64xf32, #tpu.memory_space<hbm>> -> memref<100000x64xf32, #tpu.memory_space<hbm>>
        tpu.wait_indirect_dma semaphore(%arg28 : memref<!tpu.dma_semaphore, #tpu.memory_space<semaphore_mem>>) src(%dma_wait3A_347 : memref<100000x64xf32, #tpu.memory_space<hbm>>) dst(%arg16 : memref<128x64xf32, #tpu.memory_space<vmem>>)
        %add3A_348 = arith.constant 5 : i32
        %add3A_349 = arith.addi %mul3A_38, %add3A_348 : i32
        %mul3A_350 = arith.constant 128 : i32
        %mul3A_351 = arith.muli %add3A_349, %mul3A_350 : i32
        %add3A_352 = arith.addi %mul3A_2, %mul3A_351 : i32
        %dma_start3A_353 = arith.constant 0 : i32
        %dma_start3A_354 = tpu.memref_slice %arg6[%add3A_352, %dma_start3A_353] : memref<100000x64xf32, #tpu.memory_space<hbm>> -> memref<128x64xf32, #tpu.memory_space<hbm>>
        %dma_start3A_355 = arith.constant 0 : i32
        %dma_start3A_356 = tpu.memref_slice %arg6[%add3A_352, %dma_start3A_355] : memref<100000x64xf32, #tpu.memory_space<hbm>> -> memref<128x64xf32, #tpu.memory_space<hbm>>
        tpu.enqueue_dma source(%arg16 : memref<128x64xf32, #tpu.memory_space<vmem>>) target(%dma_start3A_356 : memref<128x64xf32, #tpu.memory_space<hbm>>) target_semaphore(%arg35 : memref<!tpu.dma_semaphore, #tpu.memory_space<semaphore_mem>>)
        %dma_wait3A_357 = tpu.memref_slice %arg8[%mul3A_234] : memref<3200xi32, #tpu.memory_space<vmem>> -> memref<128xi32, #tpu.memory_space<vmem>>
        %dma_wait3A_358 = arith.constant 0 : i32
        %dma_wait3A_359 = arith.constant 0 : i32
        %dma_wait3A_360 = tpu.memref_slice %arg2[%dma_wait3A_358, %dma_wait3A_359] : memref<100000x64xf32, #tpu.memory_space<hbm>> -> memref<100000x64xf32, #tpu.memory_space<hbm>>
        tpu.wait_indirect_dma semaphore(%arg29 : memref<!tpu.dma_semaphore, #tpu.memory_space<semaphore_mem>>) src(%dma_wait3A_360 : memref<100000x64xf32, #tpu.memory_space<hbm>>) dst(%arg17 : memref<128x64xf32, #tpu.memory_space<vmem>>)
        %add3A_361 = arith.constant 6 : i32
        %add3A_362 = arith.addi %mul3A_38, %add3A_361 : i32
        %mul3A_363 = arith.constant 128 : i32
        %mul3A_364 = arith.muli %add3A_362, %mul3A_363 : i32
        %add3A_365 = arith.addi %mul3A_2, %mul3A_364 : i32
        %dma_start3A_366 = arith.constant 0 : i32
        %dma_start3A_367 = tpu.memref_slice %arg6[%add3A_365, %dma_start3A_366] : memref<100000x64xf32, #tpu.memory_space<hbm>> -> memref<128x64xf32, #tpu.memory_space<hbm>>
        %dma_start3A_368 = arith.constant 0 : i32
        %dma_start3A_369 = tpu.memref_slice %arg6[%add3A_365, %dma_start3A_368] : memref<100000x64xf32, #tpu.memory_space<hbm>> -> memref<128x64xf32, #tpu.memory_space<hbm>>
        tpu.enqueue_dma source(%arg17 : memref<128x64xf32, #tpu.memory_space<vmem>>) target(%dma_start3A_369 : memref<128x64xf32, #tpu.memory_space<hbm>>) target_semaphore(%arg35 : memref<!tpu.dma_semaphore, #tpu.memory_space<semaphore_mem>>)
        %dma_wait3A_370 = tpu.memref_slice %arg8[%mul3A_242] : memref<3200xi32, #tpu.memory_space<vmem>> -> memref<128xi32, #tpu.memory_space<vmem>>
        %dma_wait3A_371 = arith.constant 0 : i32
        %dma_wait3A_372 = arith.constant 0 : i32
        %dma_wait3A_373 = tpu.memref_slice %arg2[%dma_wait3A_371, %dma_wait3A_372] : memref<100000x64xf32, #tpu.memory_space<hbm>> -> memref<100000x64xf32, #tpu.memory_space<hbm>>
        tpu.wait_indirect_dma semaphore(%arg30 : memref<!tpu.dma_semaphore, #tpu.memory_space<semaphore_mem>>) src(%dma_wait3A_373 : memref<100000x64xf32, #tpu.memory_space<hbm>>) dst(%arg18 : memref<128x64xf32, #tpu.memory_space<vmem>>)
        %add3A_374 = arith.constant 7 : i32
        %add3A_375 = arith.addi %mul3A_38, %add3A_374 : i32
        %mul3A_376 = arith.constant 128 : i32
        %mul3A_377 = arith.muli %add3A_375, %mul3A_376 : i32
        %add3A_378 = arith.addi %mul3A_2, %mul3A_377 : i32
        %dma_start3A_379 = arith.constant 0 : i32
        %dma_start3A_380 = tpu.memref_slice %arg6[%add3A_378, %dma_start3A_379] : memref<100000x64xf32, #tpu.memory_space<hbm>> -> memref<128x64xf32, #tpu.memory_space<hbm>>
        %dma_start3A_381 = arith.constant 0 : i32
        %dma_start3A_382 = tpu.memref_slice %arg6[%add3A_378, %dma_start3A_381] : memref<100000x64xf32, #tpu.memory_space<hbm>> -> memref<128x64xf32, #tpu.memory_space<hbm>>
        tpu.enqueue_dma source(%arg18 : memref<128x64xf32, #tpu.memory_space<vmem>>) target(%dma_start3A_382 : memref<128x64xf32, #tpu.memory_space<hbm>>) target_semaphore(%arg35 : memref<!tpu.dma_semaphore, #tpu.memory_space<semaphore_mem>>)
        %dma_wait3A_383 = tpu.memref_slice %arg8[%mul3A_250] : memref<3200xi32, #tpu.memory_space<vmem>> -> memref<128xi32, #tpu.memory_space<vmem>>
        %dma_wait3A_384 = arith.constant 0 : i32
        %dma_wait3A_385 = arith.constant 0 : i32
        %dma_wait3A_386 = tpu.memref_slice %arg2[%dma_wait3A_384, %dma_wait3A_385] : memref<100000x64xf32, #tpu.memory_space<hbm>> -> memref<100000x64xf32, #tpu.memory_space<hbm>>
        tpu.wait_indirect_dma semaphore(%arg31 : memref<!tpu.dma_semaphore, #tpu.memory_space<semaphore_mem>>) src(%dma_wait3A_386 : memref<100000x64xf32, #tpu.memory_space<hbm>>) dst(%arg19 : memref<128x64xf32, #tpu.memory_space<vmem>>)
        %add3A_387 = arith.constant 8 : i32
        %add3A_388 = arith.addi %mul3A_38, %add3A_387 : i32
        %mul3A_389 = arith.constant 128 : i32
        %mul3A_390 = arith.muli %add3A_388, %mul3A_389 : i32
        %add3A_391 = arith.addi %mul3A_2, %mul3A_390 : i32
        %dma_start3A_392 = arith.constant 0 : i32
        %dma_start3A_393 = tpu.memref_slice %arg6[%add3A_391, %dma_start3A_392] : memref<100000x64xf32, #tpu.memory_space<hbm>> -> memref<128x64xf32, #tpu.memory_space<hbm>>
        %dma_start3A_394 = arith.constant 0 : i32
        %dma_start3A_395 = tpu.memref_slice %arg6[%add3A_391, %dma_start3A_394] : memref<100000x64xf32, #tpu.memory_space<hbm>> -> memref<128x64xf32, #tpu.memory_space<hbm>>
        tpu.enqueue_dma source(%arg19 : memref<128x64xf32, #tpu.memory_space<vmem>>) target(%dma_start3A_395 : memref<128x64xf32, #tpu.memory_space<hbm>>) target_semaphore(%arg35 : memref<!tpu.dma_semaphore, #tpu.memory_space<semaphore_mem>>)
        %dma_wait3A_396 = tpu.memref_slice %arg8[%mul3A_258] : memref<3200xi32, #tpu.memory_space<vmem>> -> memref<128xi32, #tpu.memory_space<vmem>>
        %dma_wait3A_397 = arith.constant 0 : i32
        %dma_wait3A_398 = arith.constant 0 : i32
        %dma_wait3A_399 = tpu.memref_slice %arg2[%dma_wait3A_397, %dma_wait3A_398] : memref<100000x64xf32, #tpu.memory_space<hbm>> -> memref<100000x64xf32, #tpu.memory_space<hbm>>
        tpu.wait_indirect_dma semaphore(%arg32 : memref<!tpu.dma_semaphore, #tpu.memory_space<semaphore_mem>>) src(%dma_wait3A_399 : memref<100000x64xf32, #tpu.memory_space<hbm>>) dst(%arg20 : memref<128x64xf32, #tpu.memory_space<vmem>>)
        %add3A_400 = arith.constant 9 : i32
        %add3A_401 = arith.addi %mul3A_38, %add3A_400 : i32
        %mul3A_402 = arith.constant 128 : i32
        %mul3A_403 = arith.muli %add3A_401, %mul3A_402 : i32
        %add3A_404 = arith.addi %mul3A_2, %mul3A_403 : i32
        %dma_start3A_405 = arith.constant 0 : i32
        %dma_start3A_406 = tpu.memref_slice %arg6[%add3A_404, %dma_start3A_405] : memref<100000x64xf32, #tpu.memory_space<hbm>> -> memref<128x64xf32, #tpu.memory_space<hbm>>
        %dma_start3A_407 = arith.constant 0 : i32
        %dma_start3A_408 = tpu.memref_slice %arg6[%add3A_404, %dma_start3A_407] : memref<100000x64xf32, #tpu.memory_space<hbm>> -> memref<128x64xf32, #tpu.memory_space<hbm>>
        tpu.enqueue_dma source(%arg20 : memref<128x64xf32, #tpu.memory_space<vmem>>) target(%dma_start3A_408 : memref<128x64xf32, #tpu.memory_space<hbm>>) target_semaphore(%arg35 : memref<!tpu.dma_semaphore, #tpu.memory_space<semaphore_mem>>)
        %dma_wait3A_409 = tpu.memref_slice %arg8[%mul3A_266] : memref<3200xi32, #tpu.memory_space<vmem>> -> memref<128xi32, #tpu.memory_space<vmem>>
        %dma_wait3A_410 = arith.constant 0 : i32
        %dma_wait3A_411 = arith.constant 0 : i32
        %dma_wait3A_412 = tpu.memref_slice %arg2[%dma_wait3A_410, %dma_wait3A_411] : memref<100000x64xf32, #tpu.memory_space<hbm>> -> memref<100000x64xf32, #tpu.memory_space<hbm>>
        tpu.wait_indirect_dma semaphore(%arg33 : memref<!tpu.dma_semaphore, #tpu.memory_space<semaphore_mem>>) src(%dma_wait3A_412 : memref<100000x64xf32, #tpu.memory_space<hbm>>) dst(%arg21 : memref<128x64xf32, #tpu.memory_space<vmem>>)
        %add3A_413 = arith.constant 10 : i32
        %add3A_414 = arith.addi %mul3A_38, %add3A_413 : i32
        %mul3A_415 = arith.constant 128 : i32
        %mul3A_416 = arith.muli %add3A_414, %mul3A_415 : i32
        %add3A_417 = arith.addi %mul3A_2, %mul3A_416 : i32
        %dma_start3A_418 = arith.constant 0 : i32
        %dma_start3A_419 = tpu.memref_slice %arg6[%add3A_417, %dma_start3A_418] : memref<100000x64xf32, #tpu.memory_space<hbm>> -> memref<128x64xf32, #tpu.memory_space<hbm>>
        %dma_start3A_420 = arith.constant 0 : i32
        %dma_start3A_421 = tpu.memref_slice %arg6[%add3A_417, %dma_start3A_420] : memref<100000x64xf32, #tpu.memory_space<hbm>> -> memref<128x64xf32, #tpu.memory_space<hbm>>
        tpu.enqueue_dma source(%arg21 : memref<128x64xf32, #tpu.memory_space<vmem>>) target(%dma_start3A_421 : memref<128x64xf32, #tpu.memory_space<hbm>>) target_semaphore(%arg35 : memref<!tpu.dma_semaphore, #tpu.memory_space<semaphore_mem>>)
        %dma_wait3A_422 = tpu.memref_slice %arg8[%mul3A_274] : memref<3200xi32, #tpu.memory_space<vmem>> -> memref<128xi32, #tpu.memory_space<vmem>>
        %dma_wait3A_423 = arith.constant 0 : i32
        %dma_wait3A_424 = arith.constant 0 : i32
        %dma_wait3A_425 = tpu.memref_slice %arg2[%dma_wait3A_423, %dma_wait3A_424] : memref<100000x64xf32, #tpu.memory_space<hbm>> -> memref<100000x64xf32, #tpu.memory_space<hbm>>
        tpu.wait_indirect_dma semaphore(%arg34 : memref<!tpu.dma_semaphore, #tpu.memory_space<semaphore_mem>>) src(%dma_wait3A_425 : memref<100000x64xf32, #tpu.memory_space<hbm>>) dst(%arg22 : memref<128x64xf32, #tpu.memory_space<vmem>>)
        %add3A_426 = arith.constant 11 : i32
        %add3A_427 = arith.addi %mul3A_38, %add3A_426 : i32
        %mul3A_428 = arith.constant 128 : i32
        %mul3A_429 = arith.muli %add3A_427, %mul3A_428 : i32
        %add3A_430 = arith.addi %mul3A_2, %mul3A_429 : i32
        %dma_start3A_431 = arith.constant 0 : i32
        %dma_start3A_432 = tpu.memref_slice %arg6[%add3A_430, %dma_start3A_431] : memref<100000x64xf32, #tpu.memory_space<hbm>> -> memref<128x64xf32, #tpu.memory_space<hbm>>
        %dma_start3A_433 = arith.constant 0 : i32
        %dma_start3A_434 = tpu.memref_slice %arg6[%add3A_430, %dma_start3A_433] : memref<100000x64xf32, #tpu.memory_space<hbm>> -> memref<128x64xf32, #tpu.memory_space<hbm>>
        tpu.enqueue_dma source(%arg22 : memref<128x64xf32, #tpu.memory_space<vmem>>) target(%dma_start3A_434 : memref<128x64xf32, #tpu.memory_space<hbm>>) target_semaphore(%arg35 : memref<!tpu.dma_semaphore, #tpu.memory_space<semaphore_mem>>)
        %dma_wait3A_435 = arith.constant 0 : i32
        %dma_wait3A_436 = tpu.memref_slice %arg6[%add3A_287, %dma_wait3A_435] : memref<100000x64xf32, #tpu.memory_space<hbm>> -> memref<128x64xf32, #tpu.memory_space<hbm>>
        %dma_wait3A_437 = arith.constant 0 : i32
        %dma_wait3A_438 = tpu.memref_slice %arg6[%add3A_287, %dma_wait3A_437] : memref<100000x64xf32, #tpu.memory_space<hbm>> -> memref<128x64xf32, #tpu.memory_space<hbm>>
        tpu.wait_dma2 semaphore(%arg35 : memref<!tpu.dma_semaphore, #tpu.memory_space<semaphore_mem>>) src(%arg11 : memref<128x64xf32, #tpu.memory_space<vmem>>) dst(%dma_wait3A_438 : memref<128x64xf32, #tpu.memory_space<hbm>>)
        %dma_wait3A_439 = tpu.memref_slice %arg10[%mul3A_46] : memref<3200xi32, #tpu.memory_space<vmem>> -> memref<128xi32, #tpu.memory_space<vmem>>
        %dma_wait3A_440 = tpu.memref_slice %arg9[%mul3A_42] : memref<3200xi32, #tpu.memory_space<vmem>> -> memref<128xi32, #tpu.memory_space<vmem>>
        %dma_wait3A_441 = arith.constant 0 : i32
        %dma_wait3A_442 = tpu.memref_slice %arg5[%dma_wait3A_441] : memref<1000xi32, #tpu.memory_space<hbm>> -> memref<1000xi32, #tpu.memory_space<hbm>>
        tpu.wait_indirect_dma semaphore(%arg36 : memref<!tpu.dma_semaphore, #tpu.memory_space<semaphore_mem>>) src(%dma_wait3A_442 : memref<1000xi32, #tpu.memory_space<hbm>>) dst(%dma_wait3A_439 : memref<128xi32, #tpu.memory_space<vmem>>)
        %dma_wait3A_443 = arith.constant 0 : i32
        %dma_wait3A_444 = tpu.memref_slice %arg6[%add3A_300, %dma_wait3A_443] : memref<100000x64xf32, #tpu.memory_space<hbm>> -> memref<128x64xf32, #tpu.memory_space<hbm>>
        %dma_wait3A_445 = arith.constant 0 : i32
        %dma_wait3A_446 = tpu.memref_slice %arg6[%add3A_300, %dma_wait3A_445] : memref<100000x64xf32, #tpu.memory_space<hbm>> -> memref<128x64xf32, #tpu.memory_space<hbm>>
        tpu.wait_dma2 semaphore(%arg35 : memref<!tpu.dma_semaphore, #tpu.memory_space<semaphore_mem>>) src(%arg12 : memref<128x64xf32, #tpu.memory_space<vmem>>) dst(%dma_wait3A_446 : memref<128x64xf32, #tpu.memory_space<hbm>>)
        %dma_wait3A_447 = tpu.memref_slice %arg10[%mul3A_58] : memref<3200xi32, #tpu.memory_space<vmem>> -> memref<128xi32, #tpu.memory_space<vmem>>
        %dma_wait3A_448 = tpu.memref_slice %arg9[%mul3A_54] : memref<3200xi32, #tpu.memory_space<vmem>> -> memref<128xi32, #tpu.memory_space<vmem>>
        %dma_wait3A_449 = arith.constant 0 : i32
        %dma_wait3A_450 = tpu.memref_slice %arg5[%dma_wait3A_449] : memref<1000xi32, #tpu.memory_space<hbm>> -> memref<1000xi32, #tpu.memory_space<hbm>>
        tpu.wait_indirect_dma semaphore(%arg36 : memref<!tpu.dma_semaphore, #tpu.memory_space<semaphore_mem>>) src(%dma_wait3A_450 : memref<1000xi32, #tpu.memory_space<hbm>>) dst(%dma_wait3A_447 : memref<128xi32, #tpu.memory_space<vmem>>)
        %dma_wait3A_451 = arith.constant 0 : i32
        %dma_wait3A_452 = tpu.memref_slice %arg6[%add3A_313, %dma_wait3A_451] : memref<100000x64xf32, #tpu.memory_space<hbm>> -> memref<128x64xf32, #tpu.memory_space<hbm>>
        %dma_wait3A_453 = arith.constant 0 : i32
        %dma_wait3A_454 = tpu.memref_slice %arg6[%add3A_313, %dma_wait3A_453] : memref<100000x64xf32, #tpu.memory_space<hbm>> -> memref<128x64xf32, #tpu.memory_space<hbm>>
        tpu.wait_dma2 semaphore(%arg35 : memref<!tpu.dma_semaphore, #tpu.memory_space<semaphore_mem>>) src(%arg13 : memref<128x64xf32, #tpu.memory_space<vmem>>) dst(%dma_wait3A_454 : memref<128x64xf32, #tpu.memory_space<hbm>>)
        %dma_wait3A_455 = tpu.memref_slice %arg10[%mul3A_70] : memref<3200xi32, #tpu.memory_space<vmem>> -> memref<128xi32, #tpu.memory_space<vmem>>
        %dma_wait3A_456 = tpu.memref_slice %arg9[%mul3A_66] : memref<3200xi32, #tpu.memory_space<vmem>> -> memref<128xi32, #tpu.memory_space<vmem>>
        %dma_wait3A_457 = arith.constant 0 : i32
        %dma_wait3A_458 = tpu.memref_slice %arg5[%dma_wait3A_457] : memref<1000xi32, #tpu.memory_space<hbm>> -> memref<1000xi32, #tpu.memory_space<hbm>>
        tpu.wait_indirect_dma semaphore(%arg36 : memref<!tpu.dma_semaphore, #tpu.memory_space<semaphore_mem>>) src(%dma_wait3A_458 : memref<1000xi32, #tpu.memory_space<hbm>>) dst(%dma_wait3A_455 : memref<128xi32, #tpu.memory_space<vmem>>)
        %dma_wait3A_459 = arith.constant 0 : i32
        %dma_wait3A_460 = tpu.memref_slice %arg6[%add3A_326, %dma_wait3A_459] : memref<100000x64xf32, #tpu.memory_space<hbm>> -> memref<128x64xf32, #tpu.memory_space<hbm>>
        %dma_wait3A_461 = arith.constant 0 : i32
        %dma_wait3A_462 = tpu.memref_slice %arg6[%add3A_326, %dma_wait3A_461] : memref<100000x64xf32, #tpu.memory_space<hbm>> -> memref<128x64xf32, #tpu.memory_space<hbm>>
        tpu.wait_dma2 semaphore(%arg35 : memref<!tpu.dma_semaphore, #tpu.memory_space<semaphore_mem>>) src(%arg14 : memref<128x64xf32, #tpu.memory_space<vmem>>) dst(%dma_wait3A_462 : memref<128x64xf32, #tpu.memory_space<hbm>>)
        %dma_wait3A_463 = tpu.memref_slice %arg10[%mul3A_82] : memref<3200xi32, #tpu.memory_space<vmem>> -> memref<128xi32, #tpu.memory_space<vmem>>
        %dma_wait3A_464 = tpu.memref_slice %arg9[%mul3A_78] : memref<3200xi32, #tpu.memory_space<vmem>> -> memref<128xi32, #tpu.memory_space<vmem>>
        %dma_wait3A_465 = arith.constant 0 : i32
        %dma_wait3A_466 = tpu.memref_slice %arg5[%dma_wait3A_465] : memref<1000xi32, #tpu.memory_space<hbm>> -> memref<1000xi32, #tpu.memory_space<hbm>>
        tpu.wait_indirect_dma semaphore(%arg36 : memref<!tpu.dma_semaphore, #tpu.memory_space<semaphore_mem>>) src(%dma_wait3A_466 : memref<1000xi32, #tpu.memory_space<hbm>>) dst(%dma_wait3A_463 : memref<128xi32, #tpu.memory_space<vmem>>)
        %dma_wait3A_467 = arith.constant 0 : i32
        %dma_wait3A_468 = tpu.memref_slice %arg6[%add3A_339, %dma_wait3A_467] : memref<100000x64xf32, #tpu.memory_space<hbm>> -> memref<128x64xf32, #tpu.memory_space<hbm>>
        %dma_wait3A_469 = arith.constant 0 : i32
        %dma_wait3A_470 = tpu.memref_slice %arg6[%add3A_339, %dma_wait3A_469] : memref<100000x64xf32, #tpu.memory_space<hbm>> -> memref<128x64xf32, #tpu.memory_space<hbm>>
        tpu.wait_dma2 semaphore(%arg35 : memref<!tpu.dma_semaphore, #tpu.memory_space<semaphore_mem>>) src(%arg15 : memref<128x64xf32, #tpu.memory_space<vmem>>) dst(%dma_wait3A_470 : memref<128x64xf32, #tpu.memory_space<hbm>>)
        %dma_wait3A_471 = tpu.memref_slice %arg10[%mul3A_94] : memref<3200xi32, #tpu.memory_space<vmem>> -> memref<128xi32, #tpu.memory_space<vmem>>
        %dma_wait3A_472 = tpu.memref_slice %arg9[%mul3A_90] : memref<3200xi32, #tpu.memory_space<vmem>> -> memref<128xi32, #tpu.memory_space<vmem>>
        %dma_wait3A_473 = arith.constant 0 : i32
        %dma_wait3A_474 = tpu.memref_slice %arg5[%dma_wait3A_473] : memref<1000xi32, #tpu.memory_space<hbm>> -> memref<1000xi32, #tpu.memory_space<hbm>>
        tpu.wait_indirect_dma semaphore(%arg36 : memref<!tpu.dma_semaphore, #tpu.memory_space<semaphore_mem>>) src(%dma_wait3A_474 : memref<1000xi32, #tpu.memory_space<hbm>>) dst(%dma_wait3A_471 : memref<128xi32, #tpu.memory_space<vmem>>)
        %dma_wait3A_475 = arith.constant 0 : i32
        %dma_wait3A_476 = tpu.memref_slice %arg6[%add3A_352, %dma_wait3A_475] : memref<100000x64xf32, #tpu.memory_space<hbm>> -> memref<128x64xf32, #tpu.memory_space<hbm>>
        %dma_wait3A_477 = arith.constant 0 : i32
        %dma_wait3A_478 = tpu.memref_slice %arg6[%add3A_352, %dma_wait3A_477] : memref<100000x64xf32, #tpu.memory_space<hbm>> -> memref<128x64xf32, #tpu.memory_space<hbm>>
        tpu.wait_dma2 semaphore(%arg35 : memref<!tpu.dma_semaphore, #tpu.memory_space<semaphore_mem>>) src(%arg16 : memref<128x64xf32, #tpu.memory_space<vmem>>) dst(%dma_wait3A_478 : memref<128x64xf32, #tpu.memory_space<hbm>>)
        %dma_wait3A_479 = tpu.memref_slice %arg10[%mul3A_106] : memref<3200xi32, #tpu.memory_space<vmem>> -> memref<128xi32, #tpu.memory_space<vmem>>
        %dma_wait3A_480 = tpu.memref_slice %arg9[%mul3A_102] : memref<3200xi32, #tpu.memory_space<vmem>> -> memref<128xi32, #tpu.memory_space<vmem>>
        %dma_wait3A_481 = arith.constant 0 : i32
        %dma_wait3A_482 = tpu.memref_slice %arg5[%dma_wait3A_481] : memref<1000xi32, #tpu.memory_space<hbm>> -> memref<1000xi32, #tpu.memory_space<hbm>>
        tpu.wait_indirect_dma semaphore(%arg36 : memref<!tpu.dma_semaphore, #tpu.memory_space<semaphore_mem>>) src(%dma_wait3A_482 : memref<1000xi32, #tpu.memory_space<hbm>>) dst(%dma_wait3A_479 : memref<128xi32, #tpu.memory_space<vmem>>)
        %dma_wait3A_483 = arith.constant 0 : i32
        %dma_wait3A_484 = tpu.memref_slice %arg6[%add3A_365, %dma_wait3A_483] : memref<100000x64xf32, #tpu.memory_space<hbm>> -> memref<128x64xf32, #tpu.memory_space<hbm>>
        %dma_wait3A_485 = arith.constant 0 : i32
        %dma_wait3A_486 = tpu.memref_slice %arg6[%add3A_365, %dma_wait3A_485] : memref<100000x64xf32, #tpu.memory_space<hbm>> -> memref<128x64xf32, #tpu.memory_space<hbm>>
        tpu.wait_dma2 semaphore(%arg35 : memref<!tpu.dma_semaphore, #tpu.memory_space<semaphore_mem>>) src(%arg17 : memref<128x64xf32, #tpu.memory_space<vmem>>) dst(%dma_wait3A_486 : memref<128x64xf32, #tpu.memory_space<hbm>>)
        %dma_wait3A_487 = tpu.memref_slice %arg10[%mul3A_118] : memref<3200xi32, #tpu.memory_space<vmem>> -> memref<128xi32, #tpu.memory_space<vmem>>
        %dma_wait3A_488 = tpu.memref_slice %arg9[%mul3A_114] : memref<3200xi32, #tpu.memory_space<vmem>> -> memref<128xi32, #tpu.memory_space<vmem>>
        %dma_wait3A_489 = arith.constant 0 : i32
        %dma_wait3A_490 = tpu.memref_slice %arg5[%dma_wait3A_489] : memref<1000xi32, #tpu.memory_space<hbm>> -> memref<1000xi32, #tpu.memory_space<hbm>>
        tpu.wait_indirect_dma semaphore(%arg36 : memref<!tpu.dma_semaphore, #tpu.memory_space<semaphore_mem>>) src(%dma_wait3A_490 : memref<1000xi32, #tpu.memory_space<hbm>>) dst(%dma_wait3A_487 : memref<128xi32, #tpu.memory_space<vmem>>)
        %dma_wait3A_491 = arith.constant 0 : i32
        %dma_wait3A_492 = tpu.memref_slice %arg6[%add3A_378, %dma_wait3A_491] : memref<100000x64xf32, #tpu.memory_space<hbm>> -> memref<128x64xf32, #tpu.memory_space<hbm>>
        %dma_wait3A_493 = arith.constant 0 : i32
        %dma_wait3A_494 = tpu.memref_slice %arg6[%add3A_378, %dma_wait3A_493] : memref<100000x64xf32, #tpu.memory_space<hbm>> -> memref<128x64xf32, #tpu.memory_space<hbm>>
        tpu.wait_dma2 semaphore(%arg35 : memref<!tpu.dma_semaphore, #tpu.memory_space<semaphore_mem>>) src(%arg18 : memref<128x64xf32, #tpu.memory_space<vmem>>) dst(%dma_wait3A_494 : memref<128x64xf32, #tpu.memory_space<hbm>>)
        %dma_wait3A_495 = tpu.memref_slice %arg10[%mul3A_130] : memref<3200xi32, #tpu.memory_space<vmem>> -> memref<128xi32, #tpu.memory_space<vmem>>
        %dma_wait3A_496 = tpu.memref_slice %arg9[%mul3A_126] : memref<3200xi32, #tpu.memory_space<vmem>> -> memref<128xi32, #tpu.memory_space<vmem>>
        %dma_wait3A_497 = arith.constant 0 : i32
        %dma_wait3A_498 = tpu.memref_slice %arg5[%dma_wait3A_497] : memref<1000xi32, #tpu.memory_space<hbm>> -> memref<1000xi32, #tpu.memory_space<hbm>>
        tpu.wait_indirect_dma semaphore(%arg36 : memref<!tpu.dma_semaphore, #tpu.memory_space<semaphore_mem>>) src(%dma_wait3A_498 : memref<1000xi32, #tpu.memory_space<hbm>>) dst(%dma_wait3A_495 : memref<128xi32, #tpu.memory_space<vmem>>)
        %dma_wait3A_499 = arith.constant 0 : i32
        %dma_wait3A_500 = tpu.memref_slice %arg6[%add3A_391, %dma_wait3A_499] : memref<100000x64xf32, #tpu.memory_space<hbm>> -> memref<128x64xf32, #tpu.memory_space<hbm>>
        %dma_wait3A_501 = arith.constant 0 : i32
        %dma_wait3A_502 = tpu.memref_slice %arg6[%add3A_391, %dma_wait3A_501] : memref<100000x64xf32, #tpu.memory_space<hbm>> -> memref<128x64xf32, #tpu.memory_space<hbm>>
        tpu.wait_dma2 semaphore(%arg35 : memref<!tpu.dma_semaphore, #tpu.memory_space<semaphore_mem>>) src(%arg19 : memref<128x64xf32, #tpu.memory_space<vmem>>) dst(%dma_wait3A_502 : memref<128x64xf32, #tpu.memory_space<hbm>>)
        %dma_wait3A_503 = tpu.memref_slice %arg10[%mul3A_142] : memref<3200xi32, #tpu.memory_space<vmem>> -> memref<128xi32, #tpu.memory_space<vmem>>
        %dma_wait3A_504 = tpu.memref_slice %arg9[%mul3A_138] : memref<3200xi32, #tpu.memory_space<vmem>> -> memref<128xi32, #tpu.memory_space<vmem>>
        %dma_wait3A_505 = arith.constant 0 : i32
        %dma_wait3A_506 = tpu.memref_slice %arg5[%dma_wait3A_505] : memref<1000xi32, #tpu.memory_space<hbm>> -> memref<1000xi32, #tpu.memory_space<hbm>>
        tpu.wait_indirect_dma semaphore(%arg36 : memref<!tpu.dma_semaphore, #tpu.memory_space<semaphore_mem>>) src(%dma_wait3A_506 : memref<1000xi32, #tpu.memory_space<hbm>>) dst(%dma_wait3A_503 : memref<128xi32, #tpu.memory_space<vmem>>)
        %dma_wait3A_507 = arith.constant 0 : i32
        %dma_wait3A_508 = tpu.memref_slice %arg6[%add3A_404, %dma_wait3A_507] : memref<100000x64xf32, #tpu.memory_space<hbm>> -> memref<128x64xf32, #tpu.memory_space<hbm>>
        %dma_wait3A_509 = arith.constant 0 : i32
        %dma_wait3A_510 = tpu.memref_slice %arg6[%add3A_404, %dma_wait3A_509] : memref<100000x64xf32, #tpu.memory_space<hbm>> -> memref<128x64xf32, #tpu.memory_space<hbm>>
        tpu.wait_dma2 semaphore(%arg35 : memref<!tpu.dma_semaphore, #tpu.memory_space<semaphore_mem>>) src(%arg20 : memref<128x64xf32, #tpu.memory_space<vmem>>) dst(%dma_wait3A_510 : memref<128x64xf32, #tpu.memory_space<hbm>>)
        %dma_wait3A_511 = tpu.memref_slice %arg10[%mul3A_154] : memref<3200xi32, #tpu.memory_space<vmem>> -> memref<128xi32, #tpu.memory_space<vmem>>
        %dma_wait3A_512 = tpu.memref_slice %arg9[%mul3A_150] : memref<3200xi32, #tpu.memory_space<vmem>> -> memref<128xi32, #tpu.memory_space<vmem>>
        %dma_wait3A_513 = arith.constant 0 : i32
        %dma_wait3A_514 = tpu.memref_slice %arg5[%dma_wait3A_513] : memref<1000xi32, #tpu.memory_space<hbm>> -> memref<1000xi32, #tpu.memory_space<hbm>>
        tpu.wait_indirect_dma semaphore(%arg36 : memref<!tpu.dma_semaphore, #tpu.memory_space<semaphore_mem>>) src(%dma_wait3A_514 : memref<1000xi32, #tpu.memory_space<hbm>>) dst(%dma_wait3A_511 : memref<128xi32, #tpu.memory_space<vmem>>)
        %dma_wait3A_515 = arith.constant 0 : i32
        %dma_wait3A_516 = tpu.memref_slice %arg6[%add3A_417, %dma_wait3A_515] : memref<100000x64xf32, #tpu.memory_space<hbm>> -> memref<128x64xf32, #tpu.memory_space<hbm>>
        %dma_wait3A_517 = arith.constant 0 : i32
        %dma_wait3A_518 = tpu.memref_slice %arg6[%add3A_417, %dma_wait3A_517] : memref<100000x64xf32, #tpu.memory_space<hbm>> -> memref<128x64xf32, #tpu.memory_space<hbm>>
        tpu.wait_dma2 semaphore(%arg35 : memref<!tpu.dma_semaphore, #tpu.memory_space<semaphore_mem>>) src(%arg21 : memref<128x64xf32, #tpu.memory_space<vmem>>) dst(%dma_wait3A_518 : memref<128x64xf32, #tpu.memory_space<hbm>>)
        %dma_wait3A_519 = tpu.memref_slice %arg10[%mul3A_166] : memref<3200xi32, #tpu.memory_space<vmem>> -> memref<128xi32, #tpu.memory_space<vmem>>
        %dma_wait3A_520 = tpu.memref_slice %arg9[%mul3A_162] : memref<3200xi32, #tpu.memory_space<vmem>> -> memref<128xi32, #tpu.memory_space<vmem>>
        %dma_wait3A_521 = arith.constant 0 : i32
        %dma_wait3A_522 = tpu.memref_slice %arg5[%dma_wait3A_521] : memref<1000xi32, #tpu.memory_space<hbm>> -> memref<1000xi32, #tpu.memory_space<hbm>>
        tpu.wait_indirect_dma semaphore(%arg36 : memref<!tpu.dma_semaphore, #tpu.memory_space<semaphore_mem>>) src(%dma_wait3A_522 : memref<1000xi32, #tpu.memory_space<hbm>>) dst(%dma_wait3A_519 : memref<128xi32, #tpu.memory_space<vmem>>)
        %dma_wait3A_523 = arith.constant 0 : i32
        %dma_wait3A_524 = tpu.memref_slice %arg6[%add3A_430, %dma_wait3A_523] : memref<100000x64xf32, #tpu.memory_space<hbm>> -> memref<128x64xf32, #tpu.memory_space<hbm>>
        %dma_wait3A_525 = arith.constant 0 : i32
        %dma_wait3A_526 = tpu.memref_slice %arg6[%add3A_430, %dma_wait3A_525] : memref<100000x64xf32, #tpu.memory_space<hbm>> -> memref<128x64xf32, #tpu.memory_space<hbm>>
        tpu.wait_dma2 semaphore(%arg35 : memref<!tpu.dma_semaphore, #tpu.memory_space<semaphore_mem>>) src(%arg22 : memref<128x64xf32, #tpu.memory_space<vmem>>) dst(%dma_wait3A_526 : memref<128x64xf32, #tpu.memory_space<hbm>>)
        %dma_wait3A_527 = tpu.memref_slice %arg10[%mul3A_178] : memref<3200xi32, #tpu.memory_space<vmem>> -> memref<128xi32, #tpu.memory_space<vmem>>
        %dma_wait3A_528 = tpu.memref_slice %arg9[%mul3A_174] : memref<3200xi32, #tpu.memory_space<vmem>> -> memref<128xi32, #tpu.memory_space<vmem>>
        %dma_wait3A_529 = arith.constant 0 : i32
        %dma_wait3A_530 = tpu.memref_slice %arg5[%dma_wait3A_529] : memref<1000xi32, #tpu.memory_space<hbm>> -> memref<1000xi32, #tpu.memory_space<hbm>>
        tpu.wait_indirect_dma semaphore(%arg36 : memref<!tpu.dma_semaphore, #tpu.memory_space<semaphore_mem>>) src(%dma_wait3A_530 : memref<1000xi32, #tpu.memory_space<hbm>>) dst(%dma_wait3A_527 : memref<128xi32, #tpu.memory_space<vmem>>)
      }
      %scan3A_13 = arith.constant 2 : i32
      %dma_start3A = arith.constant 3072 : i32
      %dma_start3A_14 = tpu.memref_slice %arg10[%dma_start3A] : memref<3200xi32, #tpu.memory_space<vmem>> -> memref<128xi32, #tpu.memory_space<vmem>>
      %dma_start3A_15 = arith.constant 3072 : i32
      %dma_start3A_16 = tpu.memref_slice %arg9[%dma_start3A_15] : memref<3200xi32, #tpu.memory_space<vmem>> -> memref<128xi32, #tpu.memory_space<vmem>>
      %dma_start3A_17 = arith.constant 0 : i32
      %dma_start3A_18 = tpu.memref_slice %arg5[%dma_start3A_17] : memref<1000xi32, #tpu.memory_space<hbm>> -> memref<1000xi32, #tpu.memory_space<hbm>>
      tpu.enqueue_indirect_dma source(%dma_start3A_18 : memref<1000xi32, #tpu.memory_space<hbm>>) target(%dma_start3A_14 : memref<128xi32, #tpu.memory_space<vmem>>) offsets(%dma_start3A_16 : memref<128xi32, #tpu.memory_space<vmem>>) semaphore(%arg36 : memref<!tpu.dma_semaphore, #tpu.memory_space<semaphore_mem>>)
      %dma_start3A_19 = arith.constant 3072 : i32
      %dma_start3A_20 = tpu.memref_slice %arg8[%dma_start3A_19] : memref<3200xi32, #tpu.memory_space<vmem>> -> memref<128xi32, #tpu.memory_space<vmem>>
      %dma_start3A_21 = arith.constant 0 : i32
      %dma_start3A_22 = arith.constant 0 : i32
      %dma_start3A_23 = tpu.memref_slice %arg2[%dma_start3A_21, %dma_start3A_22] : memref<100000x64xf32, #tpu.memory_space<hbm>> -> memref<100000x64xf32, #tpu.memory_space<hbm>>
      tpu.enqueue_indirect_dma source(%dma_start3A_23 : memref<100000x64xf32, #tpu.memory_space<hbm>>) target(%arg11 : memref<128x64xf32, #tpu.memory_space<vmem>>) offsets(%dma_start3A_20 : memref<128xi32, #tpu.memory_space<vmem>>) semaphore(%arg23 : memref<!tpu.dma_semaphore, #tpu.memory_space<semaphore_mem>>)
      %dma_wait3A = arith.constant 3072 : i32
      %dma_wait3A_24 = tpu.memref_slice %arg8[%dma_wait3A] : memref<3200xi32, #tpu.memory_space<vmem>> -> memref<128xi32, #tpu.memory_space<vmem>>
      %dma_wait3A_25 = arith.constant 0 : i32
      %dma_wait3A_26 = arith.constant 0 : i32
      %dma_wait3A_27 = tpu.memref_slice %arg2[%dma_wait3A_25, %dma_wait3A_26] : memref<100000x64xf32, #tpu.memory_space<hbm>> -> memref<100000x64xf32, #tpu.memory_space<hbm>>
      tpu.wait_indirect_dma semaphore(%arg23 : memref<!tpu.dma_semaphore, #tpu.memory_space<semaphore_mem>>) src(%dma_wait3A_27 : memref<100000x64xf32, #tpu.memory_space<hbm>>) dst(%arg11 : memref<128x64xf32, #tpu.memory_space<vmem>>)
      %add3A_28 = arith.constant 3072 : i32
      %add3A_29 = arith.addi %mul3A_2, %add3A_28 : i32
      "tpu.region"() ({
        %run_scoped3A = tpu.sem_alloc : memref<!tpu.dma_semaphore, #tpu.memory_space<semaphore_mem>>
        %dma_start3A_36 = arith.constant 0 : i32
        %dma_start3A_37 = tpu.memref_slice %arg6[%add3A_29, %dma_start3A_36] : memref<100000x64xf32, #tpu.memory_space<hbm>> -> memref<128x64xf32, #tpu.memory_space<hbm>>
        %dma_start3A_38 = arith.constant 0 : i32
        %dma_start3A_39 = tpu.memref_slice %arg6[%add3A_29, %dma_start3A_38] : memref<100000x64xf32, #tpu.memory_space<hbm>> -> memref<128x64xf32, #tpu.memory_space<hbm>>
        tpu.enqueue_dma source(%arg11 : memref<128x64xf32, #tpu.memory_space<vmem>>) target(%dma_start3A_39 : memref<128x64xf32, #tpu.memory_space<hbm>>) target_semaphore(%run_scoped3A : memref<!tpu.dma_semaphore, #tpu.memory_space<semaphore_mem>>)
        %dma_wait3A_40 = arith.constant 0 : i32
        %dma_wait3A_41 = tpu.memref_slice %arg6[%add3A_29, %dma_wait3A_40] : memref<100000x64xf32, #tpu.memory_space<hbm>> -> memref<128x64xf32, #tpu.memory_space<hbm>>
        %dma_wait3A_42 = arith.constant 0 : i32
        %dma_wait3A_43 = tpu.memref_slice %arg6[%add3A_29, %dma_wait3A_42] : memref<100000x64xf32, #tpu.memory_space<hbm>> -> memref<128x64xf32, #tpu.memory_space<hbm>>
        tpu.wait_dma2 semaphore(%run_scoped3A : memref<!tpu.dma_semaphore, #tpu.memory_space<semaphore_mem>>) src(%arg11 : memref<128x64xf32, #tpu.memory_space<vmem>>) dst(%dma_wait3A_43 : memref<128x64xf32, #tpu.memory_space<hbm>>)
        tpu.yield
      }) : () -> ()
      %dma_wait3A_30 = arith.constant 3072 : i32
      %dma_wait3A_31 = tpu.memref_slice %arg10[%dma_wait3A_30] : memref<3200xi32, #tpu.memory_space<vmem>> -> memref<128xi32, #tpu.memory_space<vmem>>
      %dma_wait3A_32 = arith.constant 3072 : i32
      %dma_wait3A_33 = tpu.memref_slice %arg9[%dma_wait3A_32] : memref<3200xi32, #tpu.memory_space<vmem>> -> memref<128xi32, #tpu.memory_space<vmem>>
      %dma_wait3A_34 = arith.constant 0 : i32
      %dma_wait3A_35 = tpu.memref_slice %arg5[%dma_wait3A_34] : memref<1000xi32, #tpu.memory_space<hbm>> -> memref<1000xi32, #tpu.memory_space<hbm>>
      tpu.wait_indirect_dma semaphore(%arg36 : memref<!tpu.dma_semaphore, #tpu.memory_space<semaphore_mem>>) src(%dma_wait3A_35 : memref<1000xi32, #tpu.memory_space<hbm>>) dst(%dma_wait3A_31 : memref<128xi32, #tpu.memory_space<vmem>>)
      "tpu.region"() ({
        %run_scoped3A = tpu.sem_alloc : memref<!tpu.dma_semaphore, #tpu.memory_space<semaphore_mem>>
        %dma_start3A_36 = tpu.memref_slice %arg7[%mul3A_2] : memref<106496xi32, #tpu.memory_space<hbm>> -> memref<3200xi32, #tpu.memory_space<hbm>>
        %dma_start3A_37 = tpu.memref_slice %arg7[%mul3A_2] : memref<106496xi32, #tpu.memory_space<hbm>> -> memref<3200xi32, #tpu.memory_space<hbm>>
        tpu.enqueue_dma source(%arg10 : memref<3200xi32, #tpu.memory_space<vmem>>) target(%dma_start3A_37 : memref<3200xi32, #tpu.memory_space<hbm>>) target_semaphore(%run_scoped3A : memref<!tpu.dma_semaphore, #tpu.memory_space<semaphore_mem>>)
        %dma_wait3A_38 = tpu.memref_slice %arg7[%mul3A_2] : memref<106496xi32, #tpu.memory_space<hbm>> -> memref<3200xi32, #tpu.memory_space<hbm>>
        %dma_wait3A_39 = tpu.memref_slice %arg7[%mul3A_2] : memref<106496xi32, #tpu.memory_space<hbm>> -> memref<3200xi32, #tpu.memory_space<hbm>>
        tpu.wait_dma2 semaphore(%run_scoped3A : memref<!tpu.dma_semaphore, #tpu.memory_space<semaphore_mem>>) src(%arg10 : memref<3200xi32, #tpu.memory_space<vmem>>) dst(%dma_wait3A_39 : memref<3200xi32, #tpu.memory_space<hbm>>)
        tpu.yield
      }) : () -> ()
    } else {
    }
    %eq3A = arith.constant 31 : i32
    %eq3A_5 = arith.cmpi eq, %add3A, %eq3A : i32
    %convert_element_type3A_6 = arith.extui %eq3A_5 : i1 to i32
    %cond3A_7 = arith.constant 0 : i32
    %cond3A_8 = arith.cmpi ne, %convert_element_type3A_6, %cond3A_7 : i32
    scf.if %cond3A_8 {
      "tpu.region"() ({
        %run_scoped3A = tpu.sem_alloc : memref<!tpu.dma_semaphore, #tpu.memory_space<semaphore_mem>>
        %dma_start3A_167 = arith.constant 0 : i32
        %dma_start3A_168 = tpu.memref_slice %arg8[%dma_start3A_167] : memref<3200xi32, #tpu.memory_space<vmem>> -> memref<800xi32, #tpu.memory_space<vmem>>
        %dma_start3A_169 = arith.constant 99200 : i32
        %dma_start3A_170 = tpu.memref_slice %arg3[%dma_start3A_169] : memref<100000xi32, #tpu.memory_space<hbm>> -> memref<800xi32, #tpu.memory_space<hbm>>
        %dma_start3A_171 = arith.constant 0 : i32
        %dma_start3A_172 = tpu.memref_slice %arg8[%dma_start3A_171] : memref<3200xi32, #tpu.memory_space<vmem>> -> memref<800xi32, #tpu.memory_space<vmem>>
        %dma_start3A_173 = arith.constant 99200 : i32
        %dma_start3A_174 = tpu.memref_slice %arg3[%dma_start3A_173] : memref<100000xi32, #tpu.memory_space<hbm>> -> memref<800xi32, #tpu.memory_space<hbm>>
        tpu.enqueue_dma source(%dma_start3A_174 : memref<800xi32, #tpu.memory_space<hbm>>) target(%dma_start3A_172 : memref<800xi32, #tpu.memory_space<vmem>>) target_semaphore(%run_scoped3A : memref<!tpu.dma_semaphore, #tpu.memory_space<semaphore_mem>>)
        %dma_wait3A_175 = arith.constant 0 : i32
        %dma_wait3A_176 = tpu.memref_slice %arg8[%dma_wait3A_175] : memref<3200xi32, #tpu.memory_space<vmem>> -> memref<800xi32, #tpu.memory_space<vmem>>
        %dma_wait3A_177 = arith.constant 99200 : i32
        %dma_wait3A_178 = tpu.memref_slice %arg3[%dma_wait3A_177] : memref<100000xi32, #tpu.memory_space<hbm>> -> memref<800xi32, #tpu.memory_space<hbm>>
        %dma_wait3A_179 = arith.constant 0 : i32
        %dma_wait3A_180 = tpu.memref_slice %arg8[%dma_wait3A_179] : memref<3200xi32, #tpu.memory_space<vmem>> -> memref<800xi32, #tpu.memory_space<vmem>>
        %dma_wait3A_181 = arith.constant 99200 : i32
        %dma_wait3A_182 = tpu.memref_slice %arg3[%dma_wait3A_181] : memref<100000xi32, #tpu.memory_space<hbm>> -> memref<800xi32, #tpu.memory_space<hbm>>
        tpu.wait_dma2 semaphore(%run_scoped3A : memref<!tpu.dma_semaphore, #tpu.memory_space<semaphore_mem>>) src(%dma_wait3A_182 : memref<800xi32, #tpu.memory_space<hbm>>) dst(%dma_wait3A_180 : memref<800xi32, #tpu.memory_space<vmem>>)
        tpu.yield
      }) : () -> ()
      "tpu.region"() ({
        %run_scoped3A = tpu.sem_alloc : memref<!tpu.dma_semaphore, #tpu.memory_space<semaphore_mem>>
        %dma_start3A_167 = arith.constant 0 : i32
        %dma_start3A_168 = tpu.memref_slice %arg9[%dma_start3A_167] : memref<3200xi32, #tpu.memory_space<vmem>> -> memref<800xi32, #tpu.memory_space<vmem>>
        %dma_start3A_169 = arith.constant 99200 : i32
        %dma_start3A_170 = tpu.memref_slice %arg4[%dma_start3A_169] : memref<100000xi32, #tpu.memory_space<hbm>> -> memref<800xi32, #tpu.memory_space<hbm>>
        %dma_start3A_171 = arith.constant 0 : i32
        %dma_start3A_172 = tpu.memref_slice %arg9[%dma_start3A_171] : memref<3200xi32, #tpu.memory_space<vmem>> -> memref<800xi32, #tpu.memory_space<vmem>>
        %dma_start3A_173 = arith.constant 99200 : i32
        %dma_start3A_174 = tpu.memref_slice %arg4[%dma_start3A_173] : memref<100000xi32, #tpu.memory_space<hbm>> -> memref<800xi32, #tpu.memory_space<hbm>>
        tpu.enqueue_dma source(%dma_start3A_174 : memref<800xi32, #tpu.memory_space<hbm>>) target(%dma_start3A_172 : memref<800xi32, #tpu.memory_space<vmem>>) target_semaphore(%run_scoped3A : memref<!tpu.dma_semaphore, #tpu.memory_space<semaphore_mem>>)
        %dma_wait3A_175 = arith.constant 0 : i32
        %dma_wait3A_176 = tpu.memref_slice %arg9[%dma_wait3A_175] : memref<3200xi32, #tpu.memory_space<vmem>> -> memref<800xi32, #tpu.memory_space<vmem>>
        %dma_wait3A_177 = arith.constant 99200 : i32
        %dma_wait3A_178 = tpu.memref_slice %arg4[%dma_wait3A_177] : memref<100000xi32, #tpu.memory_space<hbm>> -> memref<800xi32, #tpu.memory_space<hbm>>
        %dma_wait3A_179 = arith.constant 0 : i32
        %dma_wait3A_180 = tpu.memref_slice %arg9[%dma_wait3A_179] : memref<3200xi32, #tpu.memory_space<vmem>> -> memref<800xi32, #tpu.memory_space<vmem>>
        %dma_wait3A_181 = arith.constant 99200 : i32
        %dma_wait3A_182 = tpu.memref_slice %arg4[%dma_wait3A_181] : memref<100000xi32, #tpu.memory_space<hbm>> -> memref<800xi32, #tpu.memory_space<hbm>>
        tpu.wait_dma2 semaphore(%run_scoped3A : memref<!tpu.dma_semaphore, #tpu.memory_space<semaphore_mem>>) src(%dma_wait3A_182 : memref<800xi32, #tpu.memory_space<hbm>>) dst(%dma_wait3A_180 : memref<800xi32, #tpu.memory_space<vmem>>)
        tpu.yield
      }) : () -> ()
      %dma_start3A = arith.constant 0 : i32
      %dma_start3A_9 = tpu.memref_slice %arg10[%dma_start3A] : memref<3200xi32, #tpu.memory_space<vmem>> -> memref<128xi32, #tpu.memory_space<vmem>>
      %dma_start3A_10 = arith.constant 0 : i32
      %dma_start3A_11 = tpu.memref_slice %arg9[%dma_start3A_10] : memref<3200xi32, #tpu.memory_space<vmem>> -> memref<128xi32, #tpu.memory_space<vmem>>
      %dma_start3A_12 = arith.constant 0 : i32
      %dma_start3A_13 = tpu.memref_slice %arg5[%dma_start3A_12] : memref<1000xi32, #tpu.memory_space<hbm>> -> memref<1000xi32, #tpu.memory_space<hbm>>
      tpu.enqueue_indirect_dma source(%dma_start3A_13 : memref<1000xi32, #tpu.memory_space<hbm>>) target(%dma_start3A_9 : memref<128xi32, #tpu.memory_space<vmem>>) offsets(%dma_start3A_11 : memref<128xi32, #tpu.memory_space<vmem>>) semaphore(%arg36 : memref<!tpu.dma_semaphore, #tpu.memory_space<semaphore_mem>>)
      %dma_start3A_14 = arith.constant 128 : i32
      %dma_start3A_15 = tpu.memref_slice %arg10[%dma_start3A_14] : memref<3200xi32, #tpu.memory_space<vmem>> -> memref<128xi32, #tpu.memory_space<vmem>>
      %dma_start3A_16 = arith.constant 128 : i32
      %dma_start3A_17 = tpu.memref_slice %arg9[%dma_start3A_16] : memref<3200xi32, #tpu.memory_space<vmem>> -> memref<128xi32, #tpu.memory_space<vmem>>
      %dma_start3A_18 = arith.constant 0 : i32
      %dma_start3A_19 = tpu.memref_slice %arg5[%dma_start3A_18] : memref<1000xi32, #tpu.memory_space<hbm>> -> memref<1000xi32, #tpu.memory_space<hbm>>
      tpu.enqueue_indirect_dma source(%dma_start3A_19 : memref<1000xi32, #tpu.memory_space<hbm>>) target(%dma_start3A_15 : memref<128xi32, #tpu.memory_space<vmem>>) offsets(%dma_start3A_17 : memref<128xi32, #tpu.memory_space<vmem>>) semaphore(%arg36 : memref<!tpu.dma_semaphore, #tpu.memory_space<semaphore_mem>>)
      %dma_start3A_20 = arith.constant 256 : i32
      %dma_start3A_21 = tpu.memref_slice %arg10[%dma_start3A_20] : memref<3200xi32, #tpu.memory_space<vmem>> -> memref<128xi32, #tpu.memory_space<vmem>>
      %dma_start3A_22 = arith.constant 256 : i32
      %dma_start3A_23 = tpu.memref_slice %arg9[%dma_start3A_22] : memref<3200xi32, #tpu.memory_space<vmem>> -> memref<128xi32, #tpu.memory_space<vmem>>
      %dma_start3A_24 = arith.constant 0 : i32
      %dma_start3A_25 = tpu.memref_slice %arg5[%dma_start3A_24] : memref<1000xi32, #tpu.memory_space<hbm>> -> memref<1000xi32, #tpu.memory_space<hbm>>
      tpu.enqueue_indirect_dma source(%dma_start3A_25 : memref<1000xi32, #tpu.memory_space<hbm>>) target(%dma_start3A_21 : memref<128xi32, #tpu.memory_space<vmem>>) offsets(%dma_start3A_23 : memref<128xi32, #tpu.memory_space<vmem>>) semaphore(%arg36 : memref<!tpu.dma_semaphore, #tpu.memory_space<semaphore_mem>>)
      %dma_start3A_26 = arith.constant 384 : i32
      %dma_start3A_27 = tpu.memref_slice %arg10[%dma_start3A_26] : memref<3200xi32, #tpu.memory_space<vmem>> -> memref<128xi32, #tpu.memory_space<vmem>>
      %dma_start3A_28 = arith.constant 384 : i32
      %dma_start3A_29 = tpu.memref_slice %arg9[%dma_start3A_28] : memref<3200xi32, #tpu.memory_space<vmem>> -> memref<128xi32, #tpu.memory_space<vmem>>
      %dma_start3A_30 = arith.constant 0 : i32
      %dma_start3A_31 = tpu.memref_slice %arg5[%dma_start3A_30] : memref<1000xi32, #tpu.memory_space<hbm>> -> memref<1000xi32, #tpu.memory_space<hbm>>
      tpu.enqueue_indirect_dma source(%dma_start3A_31 : memref<1000xi32, #tpu.memory_space<hbm>>) target(%dma_start3A_27 : memref<128xi32, #tpu.memory_space<vmem>>) offsets(%dma_start3A_29 : memref<128xi32, #tpu.memory_space<vmem>>) semaphore(%arg36 : memref<!tpu.dma_semaphore, #tpu.memory_space<semaphore_mem>>)
      %dma_start3A_32 = arith.constant 512 : i32
      %dma_start3A_33 = tpu.memref_slice %arg10[%dma_start3A_32] : memref<3200xi32, #tpu.memory_space<vmem>> -> memref<128xi32, #tpu.memory_space<vmem>>
      %dma_start3A_34 = arith.constant 512 : i32
      %dma_start3A_35 = tpu.memref_slice %arg9[%dma_start3A_34] : memref<3200xi32, #tpu.memory_space<vmem>> -> memref<128xi32, #tpu.memory_space<vmem>>
      %dma_start3A_36 = arith.constant 0 : i32
      %dma_start3A_37 = tpu.memref_slice %arg5[%dma_start3A_36] : memref<1000xi32, #tpu.memory_space<hbm>> -> memref<1000xi32, #tpu.memory_space<hbm>>
      tpu.enqueue_indirect_dma source(%dma_start3A_37 : memref<1000xi32, #tpu.memory_space<hbm>>) target(%dma_start3A_33 : memref<128xi32, #tpu.memory_space<vmem>>) offsets(%dma_start3A_35 : memref<128xi32, #tpu.memory_space<vmem>>) semaphore(%arg36 : memref<!tpu.dma_semaphore, #tpu.memory_space<semaphore_mem>>)
      %dma_start3A_38 = arith.constant 640 : i32
      %dma_start3A_39 = tpu.memref_slice %arg10[%dma_start3A_38] : memref<3200xi32, #tpu.memory_space<vmem>> -> memref<128xi32, #tpu.memory_space<vmem>>
      %dma_start3A_40 = arith.constant 640 : i32
      %dma_start3A_41 = tpu.memref_slice %arg9[%dma_start3A_40] : memref<3200xi32, #tpu.memory_space<vmem>> -> memref<128xi32, #tpu.memory_space<vmem>>
      %dma_start3A_42 = arith.constant 0 : i32
      %dma_start3A_43 = tpu.memref_slice %arg5[%dma_start3A_42] : memref<1000xi32, #tpu.memory_space<hbm>> -> memref<1000xi32, #tpu.memory_space<hbm>>
      tpu.enqueue_indirect_dma source(%dma_start3A_43 : memref<1000xi32, #tpu.memory_space<hbm>>) target(%dma_start3A_39 : memref<128xi32, #tpu.memory_space<vmem>>) offsets(%dma_start3A_41 : memref<128xi32, #tpu.memory_space<vmem>>) semaphore(%arg36 : memref<!tpu.dma_semaphore, #tpu.memory_space<semaphore_mem>>)
      %dma_start3A_44 = arith.constant 768 : i32
      %dma_start3A_45 = tpu.memref_slice %arg10[%dma_start3A_44] : memref<3200xi32, #tpu.memory_space<vmem>> -> memref<32xi32, #tpu.memory_space<vmem>>
      %dma_start3A_46 = arith.constant 768 : i32
      %dma_start3A_47 = tpu.memref_slice %arg9[%dma_start3A_46] : memref<3200xi32, #tpu.memory_space<vmem>> -> memref<32xi32, #tpu.memory_space<vmem>>
      %dma_start3A_48 = arith.constant 0 : i32
      %dma_start3A_49 = tpu.memref_slice %arg5[%dma_start3A_48] : memref<1000xi32, #tpu.memory_space<hbm>> -> memref<1000xi32, #tpu.memory_space<hbm>>
      tpu.enqueue_indirect_dma source(%dma_start3A_49 : memref<1000xi32, #tpu.memory_space<hbm>>) target(%dma_start3A_45 : memref<32xi32, #tpu.memory_space<vmem>>) offsets(%dma_start3A_47 : memref<32xi32, #tpu.memory_space<vmem>>) semaphore(%arg36 : memref<!tpu.dma_semaphore, #tpu.memory_space<semaphore_mem>>)
      %dma_start3A_50 = arith.constant 0 : i32
      %dma_start3A_51 = tpu.memref_slice %arg8[%dma_start3A_50] : memref<3200xi32, #tpu.memory_space<vmem>> -> memref<128xi32, #tpu.memory_space<vmem>>
      %dma_start3A_52 = arith.constant 0 : i32
      %dma_start3A_53 = arith.constant 0 : i32
      %dma_start3A_54 = tpu.memref_slice %arg2[%dma_start3A_52, %dma_start3A_53] : memref<100000x64xf32, #tpu.memory_space<hbm>> -> memref<100000x64xf32, #tpu.memory_space<hbm>>
      tpu.enqueue_indirect_dma source(%dma_start3A_54 : memref<100000x64xf32, #tpu.memory_space<hbm>>) target(%arg11 : memref<128x64xf32, #tpu.memory_space<vmem>>) offsets(%dma_start3A_51 : memref<128xi32, #tpu.memory_space<vmem>>) semaphore(%arg23 : memref<!tpu.dma_semaphore, #tpu.memory_space<semaphore_mem>>)
      %dma_wait3A = arith.constant 0 : i32
      %dma_wait3A_55 = tpu.memref_slice %arg8[%dma_wait3A] : memref<3200xi32, #tpu.memory_space<vmem>> -> memref<128xi32, #tpu.memory_space<vmem>>
      %dma_wait3A_56 = arith.constant 0 : i32
      %dma_wait3A_57 = arith.constant 0 : i32
      %dma_wait3A_58 = tpu.memref_slice %arg2[%dma_wait3A_56, %dma_wait3A_57] : memref<100000x64xf32, #tpu.memory_space<hbm>> -> memref<100000x64xf32, #tpu.memory_space<hbm>>
      tpu.wait_indirect_dma semaphore(%arg23 : memref<!tpu.dma_semaphore, #tpu.memory_space<semaphore_mem>>) src(%dma_wait3A_58 : memref<100000x64xf32, #tpu.memory_space<hbm>>) dst(%arg11 : memref<128x64xf32, #tpu.memory_space<vmem>>)
      "tpu.region"() ({
        %run_scoped3A = tpu.sem_alloc : memref<!tpu.dma_semaphore, #tpu.memory_space<semaphore_mem>>
        %dma_start3A_167 = arith.constant 99200 : i32
        %dma_start3A_168 = arith.constant 0 : i32
        %dma_start3A_169 = tpu.memref_slice %arg6[%dma_start3A_167, %dma_start3A_168] : memref<100000x64xf32, #tpu.memory_space<hbm>> -> memref<128x64xf32, #tpu.memory_space<hbm>>
        %dma_start3A_170 = arith.constant 99200 : i32
        %dma_start3A_171 = arith.constant 0 : i32
        %dma_start3A_172 = tpu.memref_slice %arg6[%dma_start3A_170, %dma_start3A_171] : memref<100000x64xf32, #tpu.memory_space<hbm>> -> memref<128x64xf32, #tpu.memory_space<hbm>>
        tpu.enqueue_dma source(%arg11 : memref<128x64xf32, #tpu.memory_space<vmem>>) target(%dma_start3A_172 : memref<128x64xf32, #tpu.memory_space<hbm>>) target_semaphore(%run_scoped3A : memref<!tpu.dma_semaphore, #tpu.memory_space<semaphore_mem>>)
        %dma_wait3A_173 = arith.constant 99200 : i32
        %dma_wait3A_174 = arith.constant 0 : i32
        %dma_wait3A_175 = tpu.memref_slice %arg6[%dma_wait3A_173, %dma_wait3A_174] : memref<100000x64xf32, #tpu.memory_space<hbm>> -> memref<128x64xf32, #tpu.memory_space<hbm>>
        %dma_wait3A_176 = arith.constant 99200 : i32
        %dma_wait3A_177 = arith.constant 0 : i32
        %dma_wait3A_178 = tpu.memref_slice %arg6[%dma_wait3A_176, %dma_wait3A_177] : memref<100000x64xf32, #tpu.memory_space<hbm>> -> memref<128x64xf32, #tpu.memory_space<hbm>>
        tpu.wait_dma2 semaphore(%run_scoped3A : memref<!tpu.dma_semaphore, #tpu.memory_space<semaphore_mem>>) src(%arg11 : memref<128x64xf32, #tpu.memory_space<vmem>>) dst(%dma_wait3A_178 : memref<128x64xf32, #tpu.memory_space<hbm>>)
        tpu.yield
      }) : () -> ()
      %dma_start3A_59 = arith.constant 128 : i32
      %dma_start3A_60 = tpu.memref_slice %arg8[%dma_start3A_59] : memref<3200xi32, #tpu.memory_space<vmem>> -> memref<128xi32, #tpu.memory_space<vmem>>
      %dma_start3A_61 = arith.constant 0 : i32
      %dma_start3A_62 = arith.constant 0 : i32
      %dma_start3A_63 = tpu.memref_slice %arg2[%dma_start3A_61, %dma_start3A_62] : memref<100000x64xf32, #tpu.memory_space<hbm>> -> memref<100000x64xf32, #tpu.memory_space<hbm>>
      tpu.enqueue_indirect_dma source(%dma_start3A_63 : memref<100000x64xf32, #tpu.memory_space<hbm>>) target(%arg12 : memref<128x64xf32, #tpu.memory_space<vmem>>) offsets(%dma_start3A_60 : memref<128xi32, #tpu.memory_space<vmem>>) semaphore(%arg24 : memref<!tpu.dma_semaphore, #tpu.memory_space<semaphore_mem>>)
      %dma_wait3A_64 = arith.constant 128 : i32
      %dma_wait3A_65 = tpu.memref_slice %arg8[%dma_wait3A_64] : memref<3200xi32, #tpu.memory_space<vmem>> -> memref<128xi32, #tpu.memory_space<vmem>>
      %dma_wait3A_66 = arith.constant 0 : i32
      %dma_wait3A_67 = arith.constant 0 : i32
      %dma_wait3A_68 = tpu.memref_slice %arg2[%dma_wait3A_66, %dma_wait3A_67] : memref<100000x64xf32, #tpu.memory_space<hbm>> -> memref<100000x64xf32, #tpu.memory_space<hbm>>
      tpu.wait_indirect_dma semaphore(%arg24 : memref<!tpu.dma_semaphore, #tpu.memory_space<semaphore_mem>>) src(%dma_wait3A_68 : memref<100000x64xf32, #tpu.memory_space<hbm>>) dst(%arg12 : memref<128x64xf32, #tpu.memory_space<vmem>>)
      "tpu.region"() ({
        %run_scoped3A = tpu.sem_alloc : memref<!tpu.dma_semaphore, #tpu.memory_space<semaphore_mem>>
        %dma_start3A_167 = arith.constant 99328 : i32
        %dma_start3A_168 = arith.constant 0 : i32
        %dma_start3A_169 = tpu.memref_slice %arg6[%dma_start3A_167, %dma_start3A_168] : memref<100000x64xf32, #tpu.memory_space<hbm>> -> memref<128x64xf32, #tpu.memory_space<hbm>>
        %dma_start3A_170 = arith.constant 99328 : i32
        %dma_start3A_171 = arith.constant 0 : i32
        %dma_start3A_172 = tpu.memref_slice %arg6[%dma_start3A_170, %dma_start3A_171] : memref<100000x64xf32, #tpu.memory_space<hbm>> -> memref<128x64xf32, #tpu.memory_space<hbm>>
        tpu.enqueue_dma source(%arg12 : memref<128x64xf32, #tpu.memory_space<vmem>>) target(%dma_start3A_172 : memref<128x64xf32, #tpu.memory_space<hbm>>) target_semaphore(%run_scoped3A : memref<!tpu.dma_semaphore, #tpu.memory_space<semaphore_mem>>)
        %dma_wait3A_173 = arith.constant 99328 : i32
        %dma_wait3A_174 = arith.constant 0 : i32
        %dma_wait3A_175 = tpu.memref_slice %arg6[%dma_wait3A_173, %dma_wait3A_174] : memref<100000x64xf32, #tpu.memory_space<hbm>> -> memref<128x64xf32, #tpu.memory_space<hbm>>
        %dma_wait3A_176 = arith.constant 99328 : i32
        %dma_wait3A_177 = arith.constant 0 : i32
        %dma_wait3A_178 = tpu.memref_slice %arg6[%dma_wait3A_176, %dma_wait3A_177] : memref<100000x64xf32, #tpu.memory_space<hbm>> -> memref<128x64xf32, #tpu.memory_space<hbm>>
        tpu.wait_dma2 semaphore(%run_scoped3A : memref<!tpu.dma_semaphore, #tpu.memory_space<semaphore_mem>>) src(%arg12 : memref<128x64xf32, #tpu.memory_space<vmem>>) dst(%dma_wait3A_178 : memref<128x64xf32, #tpu.memory_space<hbm>>)
        tpu.yield
      }) : () -> ()
      %dma_start3A_69 = arith.constant 256 : i32
      %dma_start3A_70 = tpu.memref_slice %arg8[%dma_start3A_69] : memref<3200xi32, #tpu.memory_space<vmem>> -> memref<128xi32, #tpu.memory_space<vmem>>
      %dma_start3A_71 = arith.constant 0 : i32
      %dma_start3A_72 = arith.constant 0 : i32
      %dma_start3A_73 = tpu.memref_slice %arg2[%dma_start3A_71, %dma_start3A_72] : memref<100000x64xf32, #tpu.memory_space<hbm>> -> memref<100000x64xf32, #tpu.memory_space<hbm>>
      tpu.enqueue_indirect_dma source(%dma_start3A_73 : memref<100000x64xf32, #tpu.memory_space<hbm>>) target(%arg13 : memref<128x64xf32, #tpu.memory_space<vmem>>) offsets(%dma_start3A_70 : memref<128xi32, #tpu.memory_space<vmem>>) semaphore(%arg25 : memref<!tpu.dma_semaphore, #tpu.memory_space<semaphore_mem>>)
      %dma_wait3A_74 = arith.constant 256 : i32
      %dma_wait3A_75 = tpu.memref_slice %arg8[%dma_wait3A_74] : memref<3200xi32, #tpu.memory_space<vmem>> -> memref<128xi32, #tpu.memory_space<vmem>>
      %dma_wait3A_76 = arith.constant 0 : i32
      %dma_wait3A_77 = arith.constant 0 : i32
      %dma_wait3A_78 = tpu.memref_slice %arg2[%dma_wait3A_76, %dma_wait3A_77] : memref<100000x64xf32, #tpu.memory_space<hbm>> -> memref<100000x64xf32, #tpu.memory_space<hbm>>
      tpu.wait_indirect_dma semaphore(%arg25 : memref<!tpu.dma_semaphore, #tpu.memory_space<semaphore_mem>>) src(%dma_wait3A_78 : memref<100000x64xf32, #tpu.memory_space<hbm>>) dst(%arg13 : memref<128x64xf32, #tpu.memory_space<vmem>>)
      "tpu.region"() ({
        %run_scoped3A = tpu.sem_alloc : memref<!tpu.dma_semaphore, #tpu.memory_space<semaphore_mem>>
        %dma_start3A_167 = arith.constant 99456 : i32
        %dma_start3A_168 = arith.constant 0 : i32
        %dma_start3A_169 = tpu.memref_slice %arg6[%dma_start3A_167, %dma_start3A_168] : memref<100000x64xf32, #tpu.memory_space<hbm>> -> memref<128x64xf32, #tpu.memory_space<hbm>>
        %dma_start3A_170 = arith.constant 99456 : i32
        %dma_start3A_171 = arith.constant 0 : i32
        %dma_start3A_172 = tpu.memref_slice %arg6[%dma_start3A_170, %dma_start3A_171] : memref<100000x64xf32, #tpu.memory_space<hbm>> -> memref<128x64xf32, #tpu.memory_space<hbm>>
        tpu.enqueue_dma source(%arg13 : memref<128x64xf32, #tpu.memory_space<vmem>>) target(%dma_start3A_172 : memref<128x64xf32, #tpu.memory_space<hbm>>) target_semaphore(%run_scoped3A : memref<!tpu.dma_semaphore, #tpu.memory_space<semaphore_mem>>)
        %dma_wait3A_173 = arith.constant 99456 : i32
        %dma_wait3A_174 = arith.constant 0 : i32
        %dma_wait3A_175 = tpu.memref_slice %arg6[%dma_wait3A_173, %dma_wait3A_174] : memref<100000x64xf32, #tpu.memory_space<hbm>> -> memref<128x64xf32, #tpu.memory_space<hbm>>
        %dma_wait3A_176 = arith.constant 99456 : i32
        %dma_wait3A_177 = arith.constant 0 : i32
        %dma_wait3A_178 = tpu.memref_slice %arg6[%dma_wait3A_176, %dma_wait3A_177] : memref<100000x64xf32, #tpu.memory_space<hbm>> -> memref<128x64xf32, #tpu.memory_space<hbm>>
        tpu.wait_dma2 semaphore(%run_scoped3A : memref<!tpu.dma_semaphore, #tpu.memory_space<semaphore_mem>>) src(%arg13 : memref<128x64xf32, #tpu.memory_space<vmem>>) dst(%dma_wait3A_178 : memref<128x64xf32, #tpu.memory_space<hbm>>)
        tpu.yield
      }) : () -> ()
      %dma_start3A_79 = arith.constant 384 : i32
      %dma_start3A_80 = tpu.memref_slice %arg8[%dma_start3A_79] : memref<3200xi32, #tpu.memory_space<vmem>> -> memref<128xi32, #tpu.memory_space<vmem>>
      %dma_start3A_81 = arith.constant 0 : i32
      %dma_start3A_82 = arith.constant 0 : i32
      %dma_start3A_83 = tpu.memref_slice %arg2[%dma_start3A_81, %dma_start3A_82] : memref<100000x64xf32, #tpu.memory_space<hbm>> -> memref<100000x64xf32, #tpu.memory_space<hbm>>
      tpu.enqueue_indirect_dma source(%dma_start3A_83 : memref<100000x64xf32, #tpu.memory_space<hbm>>) target(%arg14 : memref<128x64xf32, #tpu.memory_space<vmem>>) offsets(%dma_start3A_80 : memref<128xi32, #tpu.memory_space<vmem>>) semaphore(%arg26 : memref<!tpu.dma_semaphore, #tpu.memory_space<semaphore_mem>>)
      %dma_wait3A_84 = arith.constant 384 : i32
      %dma_wait3A_85 = tpu.memref_slice %arg8[%dma_wait3A_84] : memref<3200xi32, #tpu.memory_space<vmem>> -> memref<128xi32, #tpu.memory_space<vmem>>
      %dma_wait3A_86 = arith.constant 0 : i32
      %dma_wait3A_87 = arith.constant 0 : i32
      %dma_wait3A_88 = tpu.memref_slice %arg2[%dma_wait3A_86, %dma_wait3A_87] : memref<100000x64xf32, #tpu.memory_space<hbm>> -> memref<100000x64xf32, #tpu.memory_space<hbm>>
      tpu.wait_indirect_dma semaphore(%arg26 : memref<!tpu.dma_semaphore, #tpu.memory_space<semaphore_mem>>) src(%dma_wait3A_88 : memref<100000x64xf32, #tpu.memory_space<hbm>>) dst(%arg14 : memref<128x64xf32, #tpu.memory_space<vmem>>)
      "tpu.region"() ({
        %run_scoped3A = tpu.sem_alloc : memref<!tpu.dma_semaphore, #tpu.memory_space<semaphore_mem>>
        %dma_start3A_167 = arith.constant 99584 : i32
        %dma_start3A_168 = arith.constant 0 : i32
        %dma_start3A_169 = tpu.memref_slice %arg6[%dma_start3A_167, %dma_start3A_168] : memref<100000x64xf32, #tpu.memory_space<hbm>> -> memref<128x64xf32, #tpu.memory_space<hbm>>
        %dma_start3A_170 = arith.constant 99584 : i32
        %dma_start3A_171 = arith.constant 0 : i32
        %dma_start3A_172 = tpu.memref_slice %arg6[%dma_start3A_170, %dma_start3A_171] : memref<100000x64xf32, #tpu.memory_space<hbm>> -> memref<128x64xf32, #tpu.memory_space<hbm>>
        tpu.enqueue_dma source(%arg14 : memref<128x64xf32, #tpu.memory_space<vmem>>) target(%dma_start3A_172 : memref<128x64xf32, #tpu.memory_space<hbm>>) target_semaphore(%run_scoped3A : memref<!tpu.dma_semaphore, #tpu.memory_space<semaphore_mem>>)
        %dma_wait3A_173 = arith.constant 99584 : i32
        %dma_wait3A_174 = arith.constant 0 : i32
        %dma_wait3A_175 = tpu.memref_slice %arg6[%dma_wait3A_173, %dma_wait3A_174] : memref<100000x64xf32, #tpu.memory_space<hbm>> -> memref<128x64xf32, #tpu.memory_space<hbm>>
        %dma_wait3A_176 = arith.constant 99584 : i32
        %dma_wait3A_177 = arith.constant 0 : i32
        %dma_wait3A_178 = tpu.memref_slice %arg6[%dma_wait3A_176, %dma_wait3A_177] : memref<100000x64xf32, #tpu.memory_space<hbm>> -> memref<128x64xf32, #tpu.memory_space<hbm>>
        tpu.wait_dma2 semaphore(%run_scoped3A : memref<!tpu.dma_semaphore, #tpu.memory_space<semaphore_mem>>) src(%arg14 : memref<128x64xf32, #tpu.memory_space<vmem>>) dst(%dma_wait3A_178 : memref<128x64xf32, #tpu.memory_space<hbm>>)
        tpu.yield
      }) : () -> ()
      %dma_start3A_89 = arith.constant 512 : i32
      %dma_start3A_90 = tpu.memref_slice %arg8[%dma_start3A_89] : memref<3200xi32, #tpu.memory_space<vmem>> -> memref<128xi32, #tpu.memory_space<vmem>>
      %dma_start3A_91 = arith.constant 0 : i32
      %dma_start3A_92 = arith.constant 0 : i32
      %dma_start3A_93 = tpu.memref_slice %arg2[%dma_start3A_91, %dma_start3A_92] : memref<100000x64xf32, #tpu.memory_space<hbm>> -> memref<100000x64xf32, #tpu.memory_space<hbm>>
      tpu.enqueue_indirect_dma source(%dma_start3A_93 : memref<100000x64xf32, #tpu.memory_space<hbm>>) target(%arg15 : memref<128x64xf32, #tpu.memory_space<vmem>>) offsets(%dma_start3A_90 : memref<128xi32, #tpu.memory_space<vmem>>) semaphore(%arg27 : memref<!tpu.dma_semaphore, #tpu.memory_space<semaphore_mem>>)
      %dma_wait3A_94 = arith.constant 512 : i32
      %dma_wait3A_95 = tpu.memref_slice %arg8[%dma_wait3A_94] : memref<3200xi32, #tpu.memory_space<vmem>> -> memref<128xi32, #tpu.memory_space<vmem>>
      %dma_wait3A_96 = arith.constant 0 : i32
      %dma_wait3A_97 = arith.constant 0 : i32
      %dma_wait3A_98 = tpu.memref_slice %arg2[%dma_wait3A_96, %dma_wait3A_97] : memref<100000x64xf32, #tpu.memory_space<hbm>> -> memref<100000x64xf32, #tpu.memory_space<hbm>>
      tpu.wait_indirect_dma semaphore(%arg27 : memref<!tpu.dma_semaphore, #tpu.memory_space<semaphore_mem>>) src(%dma_wait3A_98 : memref<100000x64xf32, #tpu.memory_space<hbm>>) dst(%arg15 : memref<128x64xf32, #tpu.memory_space<vmem>>)
      "tpu.region"() ({
        %run_scoped3A = tpu.sem_alloc : memref<!tpu.dma_semaphore, #tpu.memory_space<semaphore_mem>>
        %dma_start3A_167 = arith.constant 99712 : i32
        %dma_start3A_168 = arith.constant 0 : i32
        %dma_start3A_169 = tpu.memref_slice %arg6[%dma_start3A_167, %dma_start3A_168] : memref<100000x64xf32, #tpu.memory_space<hbm>> -> memref<128x64xf32, #tpu.memory_space<hbm>>
        %dma_start3A_170 = arith.constant 99712 : i32
        %dma_start3A_171 = arith.constant 0 : i32
        %dma_start3A_172 = tpu.memref_slice %arg6[%dma_start3A_170, %dma_start3A_171] : memref<100000x64xf32, #tpu.memory_space<hbm>> -> memref<128x64xf32, #tpu.memory_space<hbm>>
        tpu.enqueue_dma source(%arg15 : memref<128x64xf32, #tpu.memory_space<vmem>>) target(%dma_start3A_172 : memref<128x64xf32, #tpu.memory_space<hbm>>) target_semaphore(%run_scoped3A : memref<!tpu.dma_semaphore, #tpu.memory_space<semaphore_mem>>)
        %dma_wait3A_173 = arith.constant 99712 : i32
        %dma_wait3A_174 = arith.constant 0 : i32
        %dma_wait3A_175 = tpu.memref_slice %arg6[%dma_wait3A_173, %dma_wait3A_174] : memref<100000x64xf32, #tpu.memory_space<hbm>> -> memref<128x64xf32, #tpu.memory_space<hbm>>
        %dma_wait3A_176 = arith.constant 99712 : i32
        %dma_wait3A_177 = arith.constant 0 : i32
        %dma_wait3A_178 = tpu.memref_slice %arg6[%dma_wait3A_176, %dma_wait3A_177] : memref<100000x64xf32, #tpu.memory_space<hbm>> -> memref<128x64xf32, #tpu.memory_space<hbm>>
        tpu.wait_dma2 semaphore(%run_scoped3A : memref<!tpu.dma_semaphore, #tpu.memory_space<semaphore_mem>>) src(%arg15 : memref<128x64xf32, #tpu.memory_space<vmem>>) dst(%dma_wait3A_178 : memref<128x64xf32, #tpu.memory_space<hbm>>)
        tpu.yield
      }) : () -> ()
      %dma_start3A_99 = arith.constant 640 : i32
      %dma_start3A_100 = tpu.memref_slice %arg8[%dma_start3A_99] : memref<3200xi32, #tpu.memory_space<vmem>> -> memref<128xi32, #tpu.memory_space<vmem>>
      %dma_start3A_101 = arith.constant 0 : i32
      %dma_start3A_102 = arith.constant 0 : i32
      %dma_start3A_103 = tpu.memref_slice %arg2[%dma_start3A_101, %dma_start3A_102] : memref<100000x64xf32, #tpu.memory_space<hbm>> -> memref<100000x64xf32, #tpu.memory_space<hbm>>
      tpu.enqueue_indirect_dma source(%dma_start3A_103 : memref<100000x64xf32, #tpu.memory_space<hbm>>) target(%arg16 : memref<128x64xf32, #tpu.memory_space<vmem>>) offsets(%dma_start3A_100 : memref<128xi32, #tpu.memory_space<vmem>>) semaphore(%arg28 : memref<!tpu.dma_semaphore, #tpu.memory_space<semaphore_mem>>)
      %dma_wait3A_104 = arith.constant 640 : i32
      %dma_wait3A_105 = tpu.memref_slice %arg8[%dma_wait3A_104] : memref<3200xi32, #tpu.memory_space<vmem>> -> memref<128xi32, #tpu.memory_space<vmem>>
      %dma_wait3A_106 = arith.constant 0 : i32
      %dma_wait3A_107 = arith.constant 0 : i32
      %dma_wait3A_108 = tpu.memref_slice %arg2[%dma_wait3A_106, %dma_wait3A_107] : memref<100000x64xf32, #tpu.memory_space<hbm>> -> memref<100000x64xf32, #tpu.memory_space<hbm>>
      tpu.wait_indirect_dma semaphore(%arg28 : memref<!tpu.dma_semaphore, #tpu.memory_space<semaphore_mem>>) src(%dma_wait3A_108 : memref<100000x64xf32, #tpu.memory_space<hbm>>) dst(%arg16 : memref<128x64xf32, #tpu.memory_space<vmem>>)
      "tpu.region"() ({
        %run_scoped3A = tpu.sem_alloc : memref<!tpu.dma_semaphore, #tpu.memory_space<semaphore_mem>>
        %dma_start3A_167 = arith.constant 99840 : i32
        %dma_start3A_168 = arith.constant 0 : i32
        %dma_start3A_169 = tpu.memref_slice %arg6[%dma_start3A_167, %dma_start3A_168] : memref<100000x64xf32, #tpu.memory_space<hbm>> -> memref<128x64xf32, #tpu.memory_space<hbm>>
        %dma_start3A_170 = arith.constant 99840 : i32
        %dma_start3A_171 = arith.constant 0 : i32
        %dma_start3A_172 = tpu.memref_slice %arg6[%dma_start3A_170, %dma_start3A_171] : memref<100000x64xf32, #tpu.memory_space<hbm>> -> memref<128x64xf32, #tpu.memory_space<hbm>>
        tpu.enqueue_dma source(%arg16 : memref<128x64xf32, #tpu.memory_space<vmem>>) target(%dma_start3A_172 : memref<128x64xf32, #tpu.memory_space<hbm>>) target_semaphore(%run_scoped3A : memref<!tpu.dma_semaphore, #tpu.memory_space<semaphore_mem>>)
        %dma_wait3A_173 = arith.constant 99840 : i32
        %dma_wait3A_174 = arith.constant 0 : i32
        %dma_wait3A_175 = tpu.memref_slice %arg6[%dma_wait3A_173, %dma_wait3A_174] : memref<100000x64xf32, #tpu.memory_space<hbm>> -> memref<128x64xf32, #tpu.memory_space<hbm>>
        %dma_wait3A_176 = arith.constant 99840 : i32
        %dma_wait3A_177 = arith.constant 0 : i32
        %dma_wait3A_178 = tpu.memref_slice %arg6[%dma_wait3A_176, %dma_wait3A_177] : memref<100000x64xf32, #tpu.memory_space<hbm>> -> memref<128x64xf32, #tpu.memory_space<hbm>>
        tpu.wait_dma2 semaphore(%run_scoped3A : memref<!tpu.dma_semaphore, #tpu.memory_space<semaphore_mem>>) src(%arg16 : memref<128x64xf32, #tpu.memory_space<vmem>>) dst(%dma_wait3A_178 : memref<128x64xf32, #tpu.memory_space<hbm>>)
        tpu.yield
      }) : () -> ()
      %dma_start3A_109 = arith.constant 0 : i32
      %dma_start3A_110 = arith.constant 0 : i32
      %dma_start3A_111 = tpu.memref_slice %arg17[%dma_start3A_109, %dma_start3A_110] : memref<128x64xf32, #tpu.memory_space<vmem>> -> memref<32x64xf32, #tpu.memory_space<vmem>>
      %dma_start3A_112 = arith.constant 768 : i32
      %dma_start3A_113 = tpu.memref_slice %arg8[%dma_start3A_112] : memref<3200xi32, #tpu.memory_space<vmem>> -> memref<32xi32, #tpu.memory_space<vmem>>
      %dma_start3A_114 = arith.constant 0 : i32
      %dma_start3A_115 = arith.constant 0 : i32
      %dma_start3A_116 = tpu.memref_slice %arg2[%dma_start3A_114, %dma_start3A_115] : memref<100000x64xf32, #tpu.memory_space<hbm>> -> memref<100000x64xf32, #tpu.memory_space<hbm>>
      tpu.enqueue_indirect_dma source(%dma_start3A_116 : memref<100000x64xf32, #tpu.memory_space<hbm>>) target(%dma_start3A_111 : memref<32x64xf32, #tpu.memory_space<vmem>>) offsets(%dma_start3A_113 : memref<32xi32, #tpu.memory_space<vmem>>) semaphore(%arg29 : memref<!tpu.dma_semaphore, #tpu.memory_space<semaphore_mem>>)
      %dma_wait3A_117 = arith.constant 0 : i32
      %dma_wait3A_118 = arith.constant 0 : i32
      %dma_wait3A_119 = tpu.memref_slice %arg17[%dma_wait3A_117, %dma_wait3A_118] : memref<128x64xf32, #tpu.memory_space<vmem>> -> memref<32x64xf32, #tpu.memory_space<vmem>>
      %dma_wait3A_120 = arith.constant 768 : i32
      %dma_wait3A_121 = tpu.memref_slice %arg8[%dma_wait3A_120] : memref<3200xi32, #tpu.memory_space<vmem>> -> memref<32xi32, #tpu.memory_space<vmem>>
      %dma_wait3A_122 = arith.constant 0 : i32
      %dma_wait3A_123 = arith.constant 0 : i32
      %dma_wait3A_124 = tpu.memref_slice %arg2[%dma_wait3A_122, %dma_wait3A_123] : memref<100000x64xf32, #tpu.memory_space<hbm>> -> memref<100000x64xf32, #tpu.memory_space<hbm>>
      tpu.wait_indirect_dma semaphore(%arg29 : memref<!tpu.dma_semaphore, #tpu.memory_space<semaphore_mem>>) src(%dma_wait3A_124 : memref<100000x64xf32, #tpu.memory_space<hbm>>) dst(%dma_wait3A_119 : memref<32x64xf32, #tpu.memory_space<vmem>>)
      "tpu.region"() ({
        %run_scoped3A = tpu.sem_alloc : memref<!tpu.dma_semaphore, #tpu.memory_space<semaphore_mem>>
        %dma_start3A_167 = arith.constant 0 : i32
        %dma_start3A_168 = arith.constant 0 : i32
        %dma_start3A_169 = tpu.memref_slice %arg17[%dma_start3A_167, %dma_start3A_168] : memref<128x64xf32, #tpu.memory_space<vmem>> -> memref<32x64xf32, #tpu.memory_space<vmem>>
        %dma_start3A_170 = arith.constant 99968 : i32
        %dma_start3A_171 = arith.constant 0 : i32
        %dma_start3A_172 = tpu.memref_slice %arg6[%dma_start3A_170, %dma_start3A_171] : memref<100000x64xf32, #tpu.memory_space<hbm>> -> memref<32x64xf32, #tpu.memory_space<hbm>>
        %dma_start3A_173 = arith.constant 99968 : i32
        %dma_start3A_174 = arith.constant 0 : i32
        %dma_start3A_175 = tpu.memref_slice %arg6[%dma_start3A_173, %dma_start3A_174] : memref<100000x64xf32, #tpu.memory_space<hbm>> -> memref<32x64xf32, #tpu.memory_space<hbm>>
        %dma_start3A_176 = arith.constant 0 : i32
        %dma_start3A_177 = arith.constant 0 : i32
        %dma_start3A_178 = tpu.memref_slice %arg17[%dma_start3A_176, %dma_start3A_177] : memref<128x64xf32, #tpu.memory_space<vmem>> -> memref<32x64xf32, #tpu.memory_space<vmem>>
        tpu.enqueue_dma source(%dma_start3A_178 : memref<32x64xf32, #tpu.memory_space<vmem>>) target(%dma_start3A_175 : memref<32x64xf32, #tpu.memory_space<hbm>>) target_semaphore(%run_scoped3A : memref<!tpu.dma_semaphore, #tpu.memory_space<semaphore_mem>>)
        %dma_wait3A_179 = arith.constant 0 : i32
        %dma_wait3A_180 = arith.constant 0 : i32
        %dma_wait3A_181 = tpu.memref_slice %arg17[%dma_wait3A_179, %dma_wait3A_180] : memref<128x64xf32, #tpu.memory_space<vmem>> -> memref<32x64xf32, #tpu.memory_space<vmem>>
        %dma_wait3A_182 = arith.constant 99968 : i32
        %dma_wait3A_183 = arith.constant 0 : i32
        %dma_wait3A_184 = tpu.memref_slice %arg6[%dma_wait3A_182, %dma_wait3A_183] : memref<100000x64xf32, #tpu.memory_space<hbm>> -> memref<32x64xf32, #tpu.memory_space<hbm>>
        %dma_wait3A_185 = arith.constant 99968 : i32
        %dma_wait3A_186 = arith.constant 0 : i32
        %dma_wait3A_187 = tpu.memref_slice %arg6[%dma_wait3A_185, %dma_wait3A_186] : memref<100000x64xf32, #tpu.memory_space<hbm>> -> memref<32x64xf32, #tpu.memory_space<hbm>>
        %dma_wait3A_188 = arith.constant 0 : i32
        %dma_wait3A_189 = arith.constant 0 : i32
        %dma_wait3A_190 = tpu.memref_slice %arg17[%dma_wait3A_188, %dma_wait3A_189] : memref<128x64xf32, #tpu.memory_space<vmem>> -> memref<32x64xf32, #tpu.memory_space<vmem>>
        tpu.wait_dma2 semaphore(%run_scoped3A : memref<!tpu.dma_semaphore, #tpu.memory_space<semaphore_mem>>) src(%dma_wait3A_190 : memref<32x64xf32, #tpu.memory_space<vmem>>) dst(%dma_wait3A_187 : memref<32x64xf32, #tpu.memory_space<hbm>>)
        tpu.yield
      }) : () -> ()
      %dma_wait3A_125 = arith.constant 0 : i32
      %dma_wait3A_126 = tpu.memref_slice %arg10[%dma_wait3A_125] : memref<3200xi32, #tpu.memory_space<vmem>> -> memref<128xi32, #tpu.memory_space<vmem>>
      %dma_wait3A_127 = arith.constant 0 : i32
      %dma_wait3A_128 = tpu.memref_slice %arg9[%dma_wait3A_127] : memref<3200xi32, #tpu.memory_space<vmem>> -> memref<128xi32, #tpu.memory_space<vmem>>
      %dma_wait3A_129 = arith.constant 0 : i32
      %dma_wait3A_130 = tpu.memref_slice %arg5[%dma_wait3A_129] : memref<1000xi32, #tpu.memory_space<hbm>> -> memref<1000xi32, #tpu.memory_space<hbm>>
      tpu.wait_indirect_dma semaphore(%arg36 : memref<!tpu.dma_semaphore, #tpu.memory_space<semaphore_mem>>) src(%dma_wait3A_130 : memref<1000xi32, #tpu.memory_space<hbm>>) dst(%dma_wait3A_126 : memref<128xi32, #tpu.memory_space<vmem>>)
      %dma_wait3A_131 = arith.constant 128 : i32
      %dma_wait3A_132 = tpu.memref_slice %arg10[%dma_wait3A_131] : memref<3200xi32, #tpu.memory_space<vmem>> -> memref<128xi32, #tpu.memory_space<vmem>>
      %dma_wait3A_133 = arith.constant 128 : i32
      %dma_wait3A_134 = tpu.memref_slice %arg9[%dma_wait3A_133] : memref<3200xi32, #tpu.memory_space<vmem>> -> memref<128xi32, #tpu.memory_space<vmem>>
      %dma_wait3A_135 = arith.constant 0 : i32
      %dma_wait3A_136 = tpu.memref_slice %arg5[%dma_wait3A_135] : memref<1000xi32, #tpu.memory_space<hbm>> -> memref<1000xi32, #tpu.memory_space<hbm>>
      tpu.wait_indirect_dma semaphore(%arg36 : memref<!tpu.dma_semaphore, #tpu.memory_space<semaphore_mem>>) src(%dma_wait3A_136 : memref<1000xi32, #tpu.memory_space<hbm>>) dst(%dma_wait3A_132 : memref<128xi32, #tpu.memory_space<vmem>>)
      %dma_wait3A_137 = arith.constant 256 : i32
      %dma_wait3A_138 = tpu.memref_slice %arg10[%dma_wait3A_137] : memref<3200xi32, #tpu.memory_space<vmem>> -> memref<128xi32, #tpu.memory_space<vmem>>
      %dma_wait3A_139 = arith.constant 256 : i32
      %dma_wait3A_140 = tpu.memref_slice %arg9[%dma_wait3A_139] : memref<3200xi32, #tpu.memory_space<vmem>> -> memref<128xi32, #tpu.memory_space<vmem>>
      %dma_wait3A_141 = arith.constant 0 : i32
      %dma_wait3A_142 = tpu.memref_slice %arg5[%dma_wait3A_141] : memref<1000xi32, #tpu.memory_space<hbm>> -> memref<1000xi32, #tpu.memory_space<hbm>>
      tpu.wait_indirect_dma semaphore(%arg36 : memref<!tpu.dma_semaphore, #tpu.memory_space<semaphore_mem>>) src(%dma_wait3A_142 : memref<1000xi32, #tpu.memory_space<hbm>>) dst(%dma_wait3A_138 : memref<128xi32, #tpu.memory_space<vmem>>)
      %dma_wait3A_143 = arith.constant 384 : i32
      %dma_wait3A_144 = tpu.memref_slice %arg10[%dma_wait3A_143] : memref<3200xi32, #tpu.memory_space<vmem>> -> memref<128xi32, #tpu.memory_space<vmem>>
      %dma_wait3A_145 = arith.constant 384 : i32
      %dma_wait3A_146 = tpu.memref_slice %arg9[%dma_wait3A_145] : memref<3200xi32, #tpu.memory_space<vmem>> -> memref<128xi32, #tpu.memory_space<vmem>>
      %dma_wait3A_147 = arith.constant 0 : i32
      %dma_wait3A_148 = tpu.memref_slice %arg5[%dma_wait3A_147] : memref<1000xi32, #tpu.memory_space<hbm>> -> memref<1000xi32, #tpu.memory_space<hbm>>
      tpu.wait_indirect_dma semaphore(%arg36 : memref<!tpu.dma_semaphore, #tpu.memory_space<semaphore_mem>>) src(%dma_wait3A_148 : memref<1000xi32, #tpu.memory_space<hbm>>) dst(%dma_wait3A_144 : memref<128xi32, #tpu.memory_space<vmem>>)
      %dma_wait3A_149 = arith.constant 512 : i32
      %dma_wait3A_150 = tpu.memref_slice %arg10[%dma_wait3A_149] : memref<3200xi32, #tpu.memory_space<vmem>> -> memref<128xi32, #tpu.memory_space<vmem>>
      %dma_wait3A_151 = arith.constant 512 : i32
      %dma_wait3A_152 = tpu.memref_slice %arg9[%dma_wait3A_151] : memref<3200xi32, #tpu.memory_space<vmem>> -> memref<128xi32, #tpu.memory_space<vmem>>
      %dma_wait3A_153 = arith.constant 0 : i32
      %dma_wait3A_154 = tpu.memref_slice %arg5[%dma_wait3A_153] : memref<1000xi32, #tpu.memory_space<hbm>> -> memref<1000xi32, #tpu.memory_space<hbm>>
      tpu.wait_indirect_dma semaphore(%arg36 : memref<!tpu.dma_semaphore, #tpu.memory_space<semaphore_mem>>) src(%dma_wait3A_154 : memref<1000xi32, #tpu.memory_space<hbm>>) dst(%dma_wait3A_150 : memref<128xi32, #tpu.memory_space<vmem>>)
      %dma_wait3A_155 = arith.constant 640 : i32
      %dma_wait3A_156 = tpu.memref_slice %arg10[%dma_wait3A_155] : memref<3200xi32, #tpu.memory_space<vmem>> -> memref<128xi32, #tpu.memory_space<vmem>>
      %dma_wait3A_157 = arith.constant 640 : i32
      %dma_wait3A_158 = tpu.memref_slice %arg9[%dma_wait3A_157] : memref<3200xi32, #tpu.memory_space<vmem>> -> memref<128xi32, #tpu.memory_space<vmem>>
      %dma_wait3A_159 = arith.constant 0 : i32
      %dma_wait3A_160 = tpu.memref_slice %arg5[%dma_wait3A_159] : memref<1000xi32, #tpu.memory_space<hbm>> -> memref<1000xi32, #tpu.memory_space<hbm>>
      tpu.wait_indirect_dma semaphore(%arg36 : memref<!tpu.dma_semaphore, #tpu.memory_space<semaphore_mem>>) src(%dma_wait3A_160 : memref<1000xi32, #tpu.memory_space<hbm>>) dst(%dma_wait3A_156 : memref<128xi32, #tpu.memory_space<vmem>>)
      %dma_wait3A_161 = arith.constant 768 : i32
      %dma_wait3A_162 = tpu.memref_slice %arg10[%dma_wait3A_161] : memref<3200xi32, #tpu.memory_space<vmem>> -> memref<32xi32, #tpu.memory_space<vmem>>
      %dma_wait3A_163 = arith.constant 768 : i32
      %dma_wait3A_164 = tpu.memref_slice %arg9[%dma_wait3A_163] : memref<3200xi32, #tpu.memory_space<vmem>> -> memref<32xi32, #tpu.memory_space<vmem>>
      %dma_wait3A_165 = arith.constant 0 : i32
      %dma_wait3A_166 = tpu.memref_slice %arg5[%dma_wait3A_165] : memref<1000xi32, #tpu.memory_space<hbm>> -> memref<1000xi32, #tpu.memory_space<hbm>>
      tpu.wait_indirect_dma semaphore(%arg36 : memref<!tpu.dma_semaphore, #tpu.memory_space<semaphore_mem>>) src(%dma_wait3A_166 : memref<1000xi32, #tpu.memory_space<hbm>>) dst(%dma_wait3A_162 : memref<32xi32, #tpu.memory_space<vmem>>)
      "tpu.region"() ({
        %run_scoped3A = tpu.sem_alloc : memref<!tpu.dma_semaphore, #tpu.memory_space<semaphore_mem>>
        %dma_start3A_167 = arith.constant 0 : i32
        %dma_start3A_168 = tpu.memref_slice %arg10[%dma_start3A_167] : memref<3200xi32, #tpu.memory_space<vmem>> -> memref<800xi32, #tpu.memory_space<vmem>>
        %dma_start3A_169 = arith.constant 99200 : i32
        %dma_start3A_170 = tpu.memref_slice %arg7[%dma_start3A_169] : memref<106496xi32, #tpu.memory_space<hbm>> -> memref<800xi32, #tpu.memory_space<hbm>>
        %dma_start3A_171 = arith.constant 99200 : i32
        %dma_start3A_172 = tpu.memref_slice %arg7[%dma_start3A_171] : memref<106496xi32, #tpu.memory_space<hbm>> -> memref<800xi32, #tpu.memory_space<hbm>>
        %dma_start3A_173 = arith.constant 0 : i32
        %dma_start3A_174 = tpu.memref_slice %arg10[%dma_start3A_173] : memref<3200xi32, #tpu.memory_space<vmem>> -> memref<800xi32, #tpu.memory_space<vmem>>
        tpu.enqueue_dma source(%dma_start3A_174 : memref<800xi32, #tpu.memory_space<vmem>>) target(%dma_start3A_172 : memref<800xi32, #tpu.memory_space<hbm>>) target_semaphore(%run_scoped3A : memref<!tpu.dma_semaphore, #tpu.memory_space<semaphore_mem>>)
        %dma_wait3A_175 = arith.constant 0 : i32
        %dma_wait3A_176 = tpu.memref_slice %arg10[%dma_wait3A_175] : memref<3200xi32, #tpu.memory_space<vmem>> -> memref<800xi32, #tpu.memory_space<vmem>>
        %dma_wait3A_177 = arith.constant 99200 : i32
        %dma_wait3A_178 = tpu.memref_slice %arg7[%dma_wait3A_177] : memref<106496xi32, #tpu.memory_space<hbm>> -> memref<800xi32, #tpu.memory_space<hbm>>
        %dma_wait3A_179 = arith.constant 99200 : i32
        %dma_wait3A_180 = tpu.memref_slice %arg7[%dma_wait3A_179] : memref<106496xi32, #tpu.memory_space<hbm>> -> memref<800xi32, #tpu.memory_space<hbm>>
        %dma_wait3A_181 = arith.constant 0 : i32
        %dma_wait3A_182 = tpu.memref_slice %arg10[%dma_wait3A_181] : memref<3200xi32, #tpu.memory_space<vmem>> -> memref<800xi32, #tpu.memory_space<vmem>>
        tpu.wait_dma2 semaphore(%run_scoped3A : memref<!tpu.dma_semaphore, #tpu.memory_space<semaphore_mem>>) src(%dma_wait3A_182 : memref<800xi32, #tpu.memory_space<vmem>>) dst(%dma_wait3A_180 : memref<800xi32, #tpu.memory_space<hbm>>)
        tpu.yield
      }) : () -> ()
    } else {
    }
    return
  }
}

module attributes {stable_mosaic.version = 14 : i64} {
  func.func @body(%arg0: i32, %arg1: memref<8192x16xf32, #tpu.memory_space<vmem>>, %arg2: memref<8192x64xf32, #tpu.memory_space<vmem>>, %arg3: memref<1x1x8192xi32, #tpu.memory_space<vmem>>, %arg4: memref<16x64xf32, #tpu.memory_space<vmem>>, %arg5: memref<1x64xf32, #tpu.memory_space<vmem>>, %arg6: memref<64x64xf32, #tpu.memory_space<vmem>>, %arg7: memref<1x64xf32, #tpu.memory_space<vmem>>, %arg8: memref<64x128xf32, #tpu.memory_space<vmem>>, %arg9: memref<64x128xf32, #tpu.memory_space<vmem>>, %arg10: memref<21x32xf32, #tpu.memory_space<vmem>>, %arg11: memref<32x128xf32, #tpu.memory_space<vmem>>, %arg12: memref<8192x128xf32, #tpu.memory_space<vmem>>) attributes {dimension_semantics = [#tpu.dimension_semantics<arbitrary>], iteration_bounds = array<i64: 13>, scalar_prefetch = 0 : i64, scratch_operands = 0 : i64, tpu.core_type = #tpu.core_type<tc>, window_params = [{transform_indices = @transform_0, window_bounds = array<i64: 8192, 16>}, {transform_indices = @transform_1, window_bounds = array<i64: 8192, 64>}, {transform_indices = @transform_2, window_bounds = array<i64: 1, 1, 8192>}, {pipeline_mode = #tpu.pipeline_mode<synchronous>, transform_indices = @transform_3, window_bounds = array<i64: 16, 64>}, {pipeline_mode = #tpu.pipeline_mode<synchronous>, transform_indices = @transform_4, window_bounds = array<i64: 1, 64>}, {pipeline_mode = #tpu.pipeline_mode<synchronous>, transform_indices = @transform_5, window_bounds = array<i64: 64, 64>}, {pipeline_mode = #tpu.pipeline_mode<synchronous>, transform_indices = @transform_6, window_bounds = array<i64: 1, 64>}, {pipeline_mode = #tpu.pipeline_mode<synchronous>, transform_indices = @transform_7, window_bounds = array<i64: 64, 128>}, {pipeline_mode = #tpu.pipeline_mode<synchronous>, transform_indices = @transform_8, window_bounds = array<i64: 64, 128>}, {pipeline_mode = #tpu.pipeline_mode<synchronous>, transform_indices = @transform_9, window_bounds = array<i64: 21, 32>}, {pipeline_mode = #tpu.pipeline_mode<synchronous>, transform_indices = @transform_10, window_bounds = array<i64: 32, 128>}, {transform_indices = @transform_11, window_bounds = array<i64: 8192, 128>}]} {
    %get3A = arith.constant 0 : index
    %get3A_0 = arith.constant 0 : index
    %get3A_1 = vector.load %arg1[%get3A, %get3A_0] : memref<8192x16xf32, #tpu.memory_space<vmem>>, vector<8192x16xf32>
    %get3A_2 = arith.constant 0 : index
    %get3A_3 = arith.constant 0 : index
    %get3A_4 = vector.load %arg4[%get3A_2, %get3A_3] : memref<16x64xf32, #tpu.memory_space<vmem>>, vector<16x64xf32>
    %dot_general3A = arith.constant dense<0.000000e+00> : vector<8192x64xf32>
    %dot_general3A_5 = tpu.matmul %get3A_1, %get3A_4, %dot_general3A {dimension_numbers = #tpu.dot_dimension_numbers<[1], [0], [0], [1], [0, 0, 1, 1], [], []>, transpose_lhs_hint = false} : vector<8192x16xf32>, vector<16x64xf32>, vector<8192x64xf32> -> vector<8192x64xf32>
    %get3A_6 = arith.constant 0 : index
    %get3A_7 = arith.constant 0 : index
    %get3A_8 = vector.load %arg5[%get3A_6, %get3A_7] : memref<1x64xf32, #tpu.memory_space<vmem>>, vector<1x64xf32>
    %add3A = vector.broadcast %get3A_8 : vector<1x64xf32> to vector<8192x64xf32>
    %add3A_9 = arith.addf %dot_general3A_5, %add3A : vector<8192x64xf32>
    %logistic3A = arith.negf %add3A_9 : vector<8192x64xf32>
    %logistic3A_10 = math.exp %logistic3A : vector<8192x64xf32>
    %logistic3A_11 = arith.constant 1.000000e+00 : f32
    %logistic3A_12 = vector.broadcast %logistic3A_11 : f32 to vector<8192x64xf32>
    %logistic3A_13 = arith.addf %logistic3A_12, %logistic3A_10 : vector<8192x64xf32>
    %logistic3A_14 = arith.divf %logistic3A_12, %logistic3A_13 : vector<8192x64xf32>
    %mul3A = arith.mulf %add3A_9, %logistic3A_14 : vector<8192x64xf32>
    %get3A_15 = arith.constant 0 : index
    %get3A_16 = arith.constant 0 : index
    %get3A_17 = vector.load %arg6[%get3A_15, %get3A_16] : memref<64x64xf32, #tpu.memory_space<vmem>>, vector<64x64xf32>
    %dot_general3A_18 = arith.constant dense<0.000000e+00> : vector<8192x64xf32>
    %dot_general3A_19 = tpu.matmul %mul3A, %get3A_17, %dot_general3A_18 {dimension_numbers = #tpu.dot_dimension_numbers<[1], [0], [0], [1], [0, 0, 1, 1], [], []>, transpose_lhs_hint = false} : vector<8192x64xf32>, vector<64x64xf32>, vector<8192x64xf32> -> vector<8192x64xf32>
    %get3A_20 = arith.constant 0 : index
    %get3A_21 = arith.constant 0 : index
    %get3A_22 = vector.load %arg7[%get3A_20, %get3A_21] : memref<1x64xf32, #tpu.memory_space<vmem>>, vector<1x64xf32>
    %add3A_23 = vector.broadcast %get3A_22 : vector<1x64xf32> to vector<8192x64xf32>
    %add3A_24 = arith.addf %dot_general3A_19, %add3A_23 : vector<8192x64xf32>
    %get3A_25 = arith.constant 0 : index
    %get3A_26 = arith.constant 0 : index
    %get3A_27 = vector.load %arg2[%get3A_25, %get3A_26] : memref<8192x64xf32, #tpu.memory_space<vmem>>, vector<8192x64xf32>
    %get3A_28 = arith.constant 0 : index
    %get3A_29 = arith.constant 0 : index
    %get3A_30 = vector.load %arg8[%get3A_28, %get3A_29] : memref<64x128xf32, #tpu.memory_space<vmem>>, vector<64x128xf32>
    %dot_general3A_31 = arith.constant dense<0.000000e+00> : vector<8192x128xf32>
    %dot_general3A_32 = tpu.matmul %get3A_27, %get3A_30, %dot_general3A_31 {dimension_numbers = #tpu.dot_dimension_numbers<[1], [0], [0], [1], [0, 0, 1, 1], [], []>, transpose_lhs_hint = false} : vector<8192x64xf32>, vector<64x128xf32>, vector<8192x128xf32> -> vector<8192x128xf32>
    %get3A_33 = arith.constant 0 : index
    %get3A_34 = arith.constant 0 : index
    %get3A_35 = vector.load %arg9[%get3A_33, %get3A_34] : memref<64x128xf32, #tpu.memory_space<vmem>>, vector<64x128xf32>
    %dot_general3A_36 = arith.constant dense<0.000000e+00> : vector<8192x128xf32>
    %dot_general3A_37 = tpu.matmul %add3A_24, %get3A_35, %dot_general3A_36 {dimension_numbers = #tpu.dot_dimension_numbers<[1], [0], [0], [1], [0, 0, 1, 1], [], []>, transpose_lhs_hint = false} : vector<8192x64xf32>, vector<64x128xf32>, vector<8192x128xf32> -> vector<8192x128xf32>
    %add3A_38 = arith.addf %dot_general3A_32, %dot_general3A_37 : vector<8192x128xf32>
    %get3A_39 = arith.constant 0 : index
    %get3A_40 = arith.constant 0 : index
    %get3A_41 = vector.load %arg10[%get3A_39, %get3A_40] : memref<21x32xf32, #tpu.memory_space<vmem>>, vector<21x32xf32>
    %get3A_42 = arith.constant 0 : index
    %get3A_43 = arith.constant 0 : index
    %get3A_44 = vector.load %arg11[%get3A_42, %get3A_43] : memref<32x128xf32, #tpu.memory_space<vmem>>, vector<32x128xf32>
    %dot_general3A_45 = arith.constant dense<0.000000e+00> : vector<21x128xf32>
    %dot_general3A_46 = tpu.matmul %get3A_41, %get3A_44, %dot_general3A_45 {dimension_numbers = #tpu.dot_dimension_numbers<[1], [0], [0], [1], [0, 0, 1, 1], [], []>, transpose_lhs_hint = false} : vector<21x32xf32>, vector<32x128xf32>, vector<21x128xf32> -> vector<21x128xf32>
    %get3A_47 = arith.constant 0 : index
    %get3A_48 = arith.constant 0 : index
    %get3A_49 = arith.constant 0 : index
    %get3A_50 = vector.load %arg3[%get3A_47, %get3A_48, %get3A_49] : memref<1x1x8192xi32, #tpu.memory_space<vmem>>, vector<1x1x8192xi32>
    %get3A_51 = vector.shape_cast %get3A_50 : vector<1x1x8192xi32> to vector<8192xi32>
    %broadcast_in_dim3A = vector.shape_cast %get3A_51 : vector<8192xi32> to vector<8192x1xi32>
    %iota3A = tpu.iota {dimensions = array<i32: 1>} : vector<8192x21xi32>
    %eq3A = vector.broadcast %broadcast_in_dim3A : vector<8192x1xi32> to vector<8192x21xi32>
    %eq3A_52 = arith.cmpi eq, %eq3A, %iota3A : vector<8192x21xi32>
    %convert_element_type3A = arith.extui %eq3A_52 : vector<8192x21xi1> to vector<8192x21xi32>
    %convert_element_type3A_53 = arith.sitofp %convert_element_type3A : vector<8192x21xi32> to vector<8192x21xf32>
    %dot_general3A_54 = arith.constant dense<0.000000e+00> : vector<8192x128xf32>
    %dot_general3A_55 = tpu.matmul %convert_element_type3A_53, %dot_general3A_46, %dot_general3A_54 {dimension_numbers = #tpu.dot_dimension_numbers<[1], [0], [0], [1], [0, 0, 1, 1], [], []>, transpose_lhs_hint = false} : vector<8192x21xf32>, vector<21x128xf32>, vector<8192x128xf32> -> vector<8192x128xf32>
    %add3A_56 = arith.addf %add3A_38, %dot_general3A_55 : vector<8192x128xf32>
    %logistic3A_57 = arith.negf %add3A_56 : vector<8192x128xf32>
    %logistic3A_58 = math.exp %logistic3A_57 : vector<8192x128xf32>
    %logistic3A_59 = arith.constant 1.000000e+00 : f32
    %logistic3A_60 = vector.broadcast %logistic3A_59 : f32 to vector<8192x128xf32>
    %logistic3A_61 = arith.addf %logistic3A_60, %logistic3A_58 : vector<8192x128xf32>
    %logistic3A_62 = arith.divf %logistic3A_60, %logistic3A_61 : vector<8192x128xf32>
    %mul3A_63 = arith.mulf %add3A_56, %logistic3A_62 : vector<8192x128xf32>
    %swap3A = arith.constant 0 : index
    %swap3A_64 = arith.constant 0 : index
    %swap3A_65 = vector.load %arg12[%swap3A, %swap3A_64] : memref<8192x128xf32, #tpu.memory_space<vmem>>, vector<8192x128xf32>
    tpu.vector_store %arg12[%swap3A, %swap3A_64], %mul3A_63 {strides = array<i32>} : memref<8192x128xf32, #tpu.memory_space<vmem>>, vector<8192x128xf32>,
    return
  }
  func.func @transform_0(%arg0: i32) -> (i32, i32) {
    %c0_i32 = arith.constant 0 : i32
    %c0_i32_0 = arith.constant 0 : i32
    return %arg0, %c0_i32 : i32, i32
  }
  func.func @transform_1(%arg0: i32) -> (i32, i32) {
    %c0_i32 = arith.constant 0 : i32
    %c0_i32_0 = arith.constant 0 : i32
    return %arg0, %c0_i32 : i32, i32
  }
  func.func @transform_2(%arg0: i32) -> (i32, i32, i32) {
    %c0_i32 = arith.constant 0 : i32
    %c0_i32_0 = arith.constant 0 : i32
    %c0_i32_1 = arith.constant 0 : i32
    return %arg0, %c0_i32, %c0_i32_0 : i32, i32, i32
  }
  func.func @transform_3(%arg0: i32) -> (i32, i32) {
    %c0_i32 = arith.constant 0 : i32
    %c0_i32_0 = arith.constant 0 : i32
    %c0_i32_1 = arith.constant 0 : i32
    return %c0_i32, %c0_i32_0 : i32, i32
  }
  func.func @transform_4(%arg0: i32) -> (i32, i32) {
    %c0_i32 = arith.constant 0 : i32
    %c0_i32_0 = arith.constant 0 : i32
    %c0_i32_1 = arith.constant 0 : i32
    return %c0_i32, %c0_i32_0 : i32, i32
  }
  func.func @transform_5(%arg0: i32) -> (i32, i32) {
    %c0_i32 = arith.constant 0 : i32
    %c0_i32_0 = arith.constant 0 : i32
    %c0_i32_1 = arith.constant 0 : i32
    return %c0_i32, %c0_i32_0 : i32, i32
  }
  func.func @transform_6(%arg0: i32) -> (i32, i32) {
    %c0_i32 = arith.constant 0 : i32
    %c0_i32_0 = arith.constant 0 : i32
    %c0_i32_1 = arith.constant 0 : i32
    return %c0_i32, %c0_i32_0 : i32, i32
  }
  func.func @transform_7(%arg0: i32) -> (i32, i32) {
    %c0_i32 = arith.constant 0 : i32
    %c0_i32_0 = arith.constant 0 : i32
    %c0_i32_1 = arith.constant 0 : i32
    return %c0_i32, %c0_i32_0 : i32, i32
  }
  func.func @transform_8(%arg0: i32) -> (i32, i32) {
    %c0_i32 = arith.constant 0 : i32
    %c0_i32_0 = arith.constant 0 : i32
    %c0_i32_1 = arith.constant 0 : i32
    return %c0_i32, %c0_i32_0 : i32, i32
  }
  func.func @transform_9(%arg0: i32) -> (i32, i32) {
    %c0_i32 = arith.constant 0 : i32
    %c0_i32_0 = arith.constant 0 : i32
    %c0_i32_1 = arith.constant 0 : i32
    return %c0_i32, %c0_i32_0 : i32, i32
  }
  func.func @transform_10(%arg0: i32) -> (i32, i32) {
    %c0_i32 = arith.constant 0 : i32
    %c0_i32_0 = arith.constant 0 : i32
    %c0_i32_1 = arith.constant 0 : i32
    return %c0_i32, %c0_i32_0 : i32, i32
  }
  func.func @transform_11(%arg0: i32) -> (i32, i32) {
    %c0_i32 = arith.constant 0 : i32
    %c0_i32_0 = arith.constant 0 : i32
    return %arg0, %c0_i32 : i32, i32
  }
}

</mosaic_0001>

<sc_bundles>
// kernel: kernel.4.cloned.1.call-start
scs
__scs_entry_jumppad:
0x0: {  	(pc) =	sbr.rel $0x88, $3  }
0x1: {  	(tag) =	ssettag $0x0;
	lr =	simm.s32 $0x1  }
0x2: {  	[smem:$0x3F96] =	sst lr;
	_ =	strace $0xD0000000  }
0x3: {  	_ = 	snop  }
0x4: {  	_ = 	snop  }
0x5: {  	_ = 	snop  }
0x6: {  	_ = 	snop  }
0x7: {  	_ = 	snop  }
__scs_overlays_trampoline_lowered:
0x8: {  	[smem:$0x3FA5] =	sst s0  }
0x9: {  	[smem:$0x3FA6] =	sst s1  }
0xa: {  	[smem:$0x3FA7] =	sst s2  }
0xb: {  	[smem:$0x3FA8] =	sst s3  }
0xc: {  	[smem:$0x3FA9] =	sst s4  }
0xd: {  	[smem:$0x3FAA] =	sst s5  }
0xe: {  	[smem:$0x3FAB] =	sst s6  }
0xf: {  	[smem:$0x3FAC] =	sst s7  }
0x10: {  	[smem:$0x3FAD] =	sst s8  }
0x11: {  	[smem:$0x3FAE] =	sst s9;
	s0 =	simm.s32 @!p0 $0x0  }
0x12: {  	s1 =	sld [smem:$0x3F94];
	s0 =	simm.s32 @p0 $0x1  }
0x13: {  	[smem:$0x3FAF] =	sst s0;
	s0 =	simm.s32 @!p1 $0x0  }
0x14: {  	s2 =	sld [smem:$0x3F93];
	s0 =	simm.s32 @p1 $0x1  }
0x15: {  	[smem:$0x3FB0] =	sst s0;
	s0 =	simm.s32 @!p2 $0x0  }
0x16: {  	s3 =	sld [smem:$0x3FDB];
	s0 =	simm.s32 @p2 $0x1  }
0x17: {  	s4 =	simm.s32 $0x1BF5;
	[smem:$0x3FB2] =	sst s0  }
0x18: {  	s0 =	sld [smem:$0x3F95];
	_ =	swait.ge [sflag:s4], $0x0  }
0x19: {  	s7 =	sld [smem:$0x3F96]  }
0x1a: {  	s8 =	sadd.s32 $0xFFFFE003, lr  }
0x1b: {  	s9 =	sadd.s32 $0xFFFFFEF7, lr;
	s5 =	simm.s32 $0xFFFFFFFF;
	p2 =	slt.u32 s8, $0xFFFFF086  }
0x1c: {  	p1 =	slt.u32 s9, $0xF7A;
	s5 =	simm.s32 @!p2 $0x0  }
0x1d: {  	s5 =	simm.s32 @p1 $0x1;
	p0 =	seq.s32 s7, s2  }
0x1e: {  	s7 =	smul.u32 @!p0 $0xF7A, s2;
	p2 =	seq.s32 @!p0 s5, $0x0  }
0x1f: {  	s9 =	smul.u32 $0xF7A, s1;
	s8 =	simm.s32 @!p0 $0x1BF5;
	p2 =	por !p2, p0  }
0x20: {  	[sflag:s8] =	ssyncset.s32 @!p0 $0xFFFFF086;
	s6 =	sadd.s32 @!p0 s3, s7;
	s7 =	simm.s32 @!p0 $0x108  }
0x21: {  	s3 =	sadd.s32 s3, s9;
	s6 =	sadd.s32 @!p0 $0x88, s6;
	s7 =	simm.s32 @p2 $0x1082  }
0x22: {  	[simem:s7], [sflag:s8] =	dma.local @!p0 [hbm:s6], $0xF7A  }
0x23: {  	s9 =	sor.u32 $0xD0000000, s2;
	s6 =	simm.s32 $0x108;
	_ =	swait.ge @!p0 [sflag:s8], $0x0  }
0x24: {  	s3 =	sadd.s32 $0x88, s3;
	s6 =	simm.s32 @!p1 $0x1082;
	[sflag:s4] =	ssyncset.s32 $0xFFFFF086  }
0x25: {  	[simem:s6], [sflag:s4] =	dma.local [hbm:s3], $0xF7A  }
0x26: {  	[smem:$0x3F96] =	sst s1;
	(tag) =	ssettag s2;
	_ =	strace s9  }
0x27: {  	s1 =	sld [smem:$0x3FA6]  }
0x28: {  	s2 =	sld [smem:$0x3FA7]  }
0x29: {  	s4 =	sld [smem:$0x3FA9]  }
0x2a: {  	p0 =	seq.s32 s5, $0x0;
	s5 =	sld [smem:$0x3FAA]  }
0x2b: {  	s6 =	sld [smem:$0x3FAB]  }
0x2c: {  	s7 =	sld [smem:$0x3FAC]  }
0x2d: {  	s3 =	simm.s32 $0x108;
	s8 =	sld [smem:$0x3FAD]  }
0x2e: {  	s3 =	simm.s32 @!p0 $0x1082;
	s9 =	sld [smem:$0x3FAE]  }
0x2f: {  	lr =	sadd.s32 s0, s3;
	s0 =	sld [smem:$0x3FA5]  }
0x30: {  	s3 =	sld [smem:$0x3FA8]  }
0x31: {  	[smem:$0x3FB1] =	sst s10  }
0x32: {  	s10 =	sld [smem:$0x3FAF];
	_ =	sdelay $0x3  }
0x33: {  	p0 =	seq.s32 s10, $0x1;
	s10 =	sld [smem:$0x3FB1];
	_ =	sdelay $0x3  }
0x34: {  	[smem:$0x3FB1] =	sst s10  }
0x35: {  	s10 =	sld [smem:$0x3FB0];
	_ =	sdelay $0x3  }
0x36: {  	p1 =	seq.s32 s10, $0x1;
	s10 =	sld [smem:$0x3FB1];
	_ =	sdelay $0x3  }
0x37: {  	[smem:$0x3FB1] =	sst s10  }
0x38: {  	s10 =	sld [smem:$0x3FB2]  }
0x39: {  	_ = 	snop;
	(pc) =	sbr.ind lr, $3  }
0x3a: {  	_ = 	snop  }
0x3b: {  	_ = 	snop  }
0x3c: {  	p2 =	seq.s32 s10, $0x1;
	s10 =	sld [smem:$0x3FB1]  }
0x3d: {  	_ =	shalt  }
0x3e: {  	_ =	shalt  }
0x3f: {  	_ =	shalt  }
0x40: {  	_ =	shalt  }
0x41: {  	_ =	shalt  }
0x42: {  	_ =	shalt  }
0x43: {  	_ =	shalt  }
0x44: {  	_ =	shalt  }
0x45: {  	_ =	shalt  }
0x46: {  	_ =	shalt  }
0x47: {  	_ =	shalt  }
0x48: {  	_ =	shalt  }
0x49: {  	_ =	shalt  }
0x4a: {  	_ =	shalt  }
0x4b: {  	_ =	shalt  }
0x4c: {  	_ =	shalt  }
0x4d: {  	_ =	shalt  }
0x4e: {  	_ =	shalt  }
0x4f: {  	_ =	shalt  }
0x50: {  	_ =	shalt  }
0x51: {  	_ =	shalt  }
0x52: {  	_ =	shalt  }
0x53: {  	_ =	shalt  }
0x54: {  	_ =	shalt  }
0x55: {  	_ =	shalt  }
0x56: {  	_ =	shalt  }
0x57: {  	_ =	shalt  }
0x58: {  	_ =	shalt  }
0x59: {  	_ =	shalt  }
0x5a: {  	_ =	shalt  }
0x5b: {  	_ =	shalt  }
0x5c: {  	_ =	shalt  }
0x5d: {  	_ =	shalt  }
0x5e: {  	_ =	shalt  }
0x5f: {  	_ =	shalt  }
0x60: {  	_ =	shalt  }
0x61: {  	_ =	shalt  }
0x62: {  	_ =	shalt  }
0x63: {  	_ =	shalt  }
0x64: {  	_ =	shalt  }
0x65: {  	_ =	shalt  }
0x66: {  	_ =	shalt  }
0x67: {  	_ =	shalt  }
0x68: {  	_ =	shalt  }
0x69: {  	_ =	shalt  }
0x6a: {  	_ =	shalt  }
0x6b: {  	_ =	shalt  }
0x6c: {  	_ =	shalt  }
0x6d: {  	_ =	shalt  }
0x6e: {  	_ =	shalt  }
0x6f: {  	_ =	shalt  }
0x70: {  	_ =	shalt  }
0x71: {  	_ =	shalt  }
0x72: {  	_ =	shalt  }
0x73: {  	_ =	shalt  }
0x74: {  	_ =	shalt  }
0x75: {  	_ =	shalt  }
0x76: {  	_ =	shalt  }
0x77: {  	_ =	shalt  }
0x78: {  	_ =	shalt  }
0x79: {  	_ =	shalt  }
0x7a: {  	_ =	shalt  }
0x7b: {  	_ =	shalt  }
0x7c: {  	_ =	shalt  }
0x7d: {  	_ =	shalt  }
0x7e: {  	_ =	shalt  }
0x7f: {  	_ =	shalt  }
0x80: {  	_ =	shalt  }
0x81: {  	_ =	shalt  }
0x82: {  	_ =	shalt  }
0x83: {  	_ =	shalt  }
0x84: {  	_ =	shalt  }
0x85: {  	_ =	shalt  }
0x86: {  	_ =	shalt  }
0x87: {  	_ =	shalt  }
.Lfunc_end0:
.L_simem_size_0:
called_computation_lowered:
.L_overlay_start_0:
0x88: {  	s2 =	sld [smem:$0x3FD9]  }
0x89: {  	s3 =	sld [smem:$0x3FFE];
	_ =	sdelay $0x1  }
0x8a: {  	s1 =	srdreg.scid  }
0x8b: {  	s0 =	sand.u32 $0x1, s1  }
0x8c: {  	s17 =	sshll.u32 s0, $0xA;
	s2 =	sadd.s32 s3, s2  }
0x8d: {  	s2 =	sadd.s32 s2, s17  }
0x8e: {  	[smem:$0x3FBD] =	sst s2  }
0x8f: {  	_ = 	snop  }
0x90: {  	s2 =	sld [smem:$0x3FC9]  }
0x91: {  	s18 =	sld [smem:$0x3FC8]  }
0x92: {  	s4 =	sld [smem:$0x3FC6]  }
0x93: {  	s5 =	sld [smem:$0x3FD0];
	(tm) =	ssettm $0x1  }
0x94: {  	s6 =	sld [smem:$0x3FFB];
	_ =	sdelay $0x3  }
0x95: {  	_ =	strace s6  }
0x96: {  	s6 =	sld [smem:$0x3FFC];
	_ =	sdelay $0x3  }
0x97: {  	_ =	strace s6  }
0x98: {  	s6 =	sld [smem:$0x3FFD];
	_ =	sdelay $0x3  }
0x99: {  	_ =	strace s6  }
0x9a: {  	_ =	strace $0x8FFFFFFF  }
0x9b: {  	s19 =	sld [smem:$0x3FDB];
	_ =	sdelay $0x1  }
0x9c: {  	s7 =	simm.s32 $_scs_section_size  }
0x9d: {  	s8 =	simm.s32 $_size__tile_overlayer_lowered;
	s9 =	simm.s32 $_tile_overlayer_lowered  }
0x9e: {  	s22 =	simm.s32 $0x1BFF;
	s21 =	sshll.u32 s9, $0x1;
	s6 =	sadd.s32 s7, s19  }
0x9f: {  	s10 =	simm.s32 $0x0;
	s20 =	sshll.u32 s8, $0x1;
	s8 =	sadd.s32 s21, s6  }
0xa0: {  	[timem:s10], [sflag:s22] =	dma.local [hbm:s8], s20  }
0xa1: {  	_ =	swait.ge [sflag:s22], s20  }
0xa2: {  	s7 =	ssub.s32 $0x0, s20;
	[sflag:s22] =	ssyncset.done $0x0  }
0xa3: {  	[sflag:s22] =	ssyncadd.s32 s7;
	_ =	sdelay $0x1  }
0xa4: {  	s23 =	simm.s32 $0x1B8B  }
0xa5: {  	_ =	swait.ge [sflag:s23], $0x1  }
0xa6: {  	[sflag:s23] =	ssyncset.done $0x0  }
0xa7: {  	s25 =	simm.s32 $0x1B8E;
	s24 =	sld [smem:$0x3FFE];
	[sflag:s23] =	ssyncadd.s32 $0xFFFFFFFF  }
0xa8: {  	s26 =	simm.s32 $execute0_lowered;
	[smem:$0x3FD2] =	sst s25  }
0xa9: {  	s8 =	sshll.u32 s26, $0x1;
	_ =	strace $0x80000046;
	[dreg:$0x1] =	wrdreg $0xFFFFFFFF  }
0xaa: {  	s28 =	simm.s32 $_size_execute0_lowered;
	s6 =	sadd.s32 s6, s8;
	[dreg:$0x0] =	wrdreg $0x0  }
0xab: {  	s8 =	sshll.u32 s28, $0x1;
	[dreg:$0x2] =	wrdreg s6  }
0xac: {  	[dreg:$0x3] =	wrdreg s8  }
0xad: {  	[dreg:$0x4] =	wrdreg $0xC0  }
0xae: {  	_ =	task [dreg:s10], $0x5FFFF  }
0xaf: {  	[dreg:$0x1] =	wrdreg $0xFFFFFFFF  }
0xb0: {  	[dreg:$0x0] =	wrdreg $0x60  }
0xb1: {  	[dreg:$0x2] =	wrdreg s24  }
0xb2: {  	[dreg:$0x3] =	wrdreg s18  }
0xb3: {  	[dreg:$0x4] =	wrdreg s2  }
0xb4: {  	[dreg:$0x5] =	wrdreg s4  }
0xb5: {  	[dreg:$0x6] =	wrdreg s5  }
0xb6: {  	[dreg:$0x7] =	wrdreg $0x9  }
0xb7: {  	_ =	task.clear_ibuf [dreg:s10], $0x8FFFF;
	_ =	strace $0x90000046  }
0xb8: {  	s29 =	simm.s32 $0x9;
	_ =	strace $0x80000048  }
0xb9: {  	_ =	swait.ge [sflag:s29], $0x1  }
0xba: {  	[sflag:s29] =	ssyncadd.s32 $0xFFFFFFFF  }
0xbb: {  	_ =	strace $0x90000048  }
0xbc: {  	_ =	sfence  }
0xbd: {  	s30 =	sld [smem:$0x0];
	_ =	sdelay $0x2  }
0xbe: {  	s31 =	sshll.u32 s1, $0xD;
	s1 =	sshrl.u32 s1, $0x2  }
0xbf: {  	s3 =	sand.u32 $0x4000, s31;
	s1 =	sadd.s32 s1, s30  }
0xc0: {  	s0 =	sor.u32 s3, s0;
	s1 =	sshll.u32 s1, $0x11  }
0xc1: {  	s0 =	sor.u32 s1, s0  }
0xc2: {  	s0 =	sadd.s32 $0x8F2B, s0  }
0xc3: {  	[sflag:s0] =	ssyncadd.remote.s32 $0x1  }
0xc4: {  	_ =	sfence.sel $0xFFFF  }
0xc5: {  	[dreg:$0x0] =	wrdreg $0xFFFFFFFF;
	(pc) =	sbr.abs _section_cstart, $3  }
0xc6: {  	[dreg:$0x1] =	wrdreg $0xFFFFFFFF  }
0xc7: {  	_ =	task.clear_ibuf [dreg:s10], $0x2FFFF;
	_ =	strace $0x9FFFFFFF  }
0xc8: {  	(tm) =	ssettm $0x7FFFFFFF  }
0xc9: {  	_ =	shalt  }
tec
execute0_lowered:
.L_overlay_start_1:
0x0: {  	(tag) =	ssettag $0x1  }
0x1: {  	s0 =	rddreg [dreg:$0x0]  }
0x2: {  	s1 =	rddreg [dreg:$0x1]  }
0x3: {  	s7 =	rddreg [dreg:$0x2]  }
0x4: {  	s2 =	rddreg [dreg:$0x3];
	s4 =	srdreg.scid  }
0x5: {  	s5 =	stileid.u32;
	s3 =	rddreg [dreg:$0x4];
	s23 =	simm.s32 $0x0  }
0x6: {  	s14 =	simm.s32 $0x6;
	s29 =	simm.s32 $0x7;
	s15 =	simm.s32 $0xE  }
0x7: {  	s28 =	simm.s32 $0xD;
	[smem:$0x7FF] =	sst s23;
	s18 =	sadd.s32 $0x3070, s7  }
0x8: {  	s19 =	sadd.s32 $0xC1C00, s3;
	_ =	strace $0x80000047;
	[dreg:$0xb] =	wrdreg s18  }
0x9: {  	s30 =	simm.s32 $0x0;
	s20 =	sadd.s32 $0xC2000, s3;
	[dreg:$0xc] =	wrdreg s19  }
0xa: {  	s31 =	simm.s32 $0x6580;
	s21 =	sadd.s32 $0xC2400, s3;
	[dreg:$0xd] =	wrdreg s20  }
0xb: {  	s6 =	sand.u32 $0x1, s4;
	s22 =	sadd.s32 $0xC2800, s3;
	[dreg:$0xe] =	wrdreg s21  }
0xc: {  	s5 =	sshll.u32 s5, $0x1;
	s24 =	sadd.s32 $0xC2C00, s3;
	[dreg:$0xf] =	wrdreg s22  }
0xd: {  	s25 =	sadd.s32 $0xC3000, s3;
	s26 =	sadd.s32 $0xC3400, s3;
	[dreg:$0x10] =	wrdreg s24  }
0xe: {  	s4 =	simm.s32 $0x1;
	s8 =	sor.u32 s6, s5;
	[dreg:$0x11] =	wrdreg s25  }
0xf: {  	s9 =	ssub.s32 $0x2, s6;
	s6 =	sadd.s32 $0x2000, s0;
	[dreg:$0x12] =	wrdreg s26  }
0x10: {  	s24 =	simm.s32 $0x80;
	s18 =	simm.s32 $0x6580;
	s20 =	simm.s32 $0x3  }
0x11: {  	s19 =	simm.s32 $0x8580;
	s25 =	simm.s32 $0x4;
	s21 =	simm.s32 $0x5  }
0x12: {  	s22 =	simm.s32 $0xC580;
	s26 =	simm.s32 $0xE580;
	s5 =	smul.u32 $0xC80, s8  }
0x13: {  	s10 =	smul.u32 $0x32000, s8;
	s12 =	sshrl.u32 s9, $0x1;
	p0 =	seq.s32 s8, $0x1F  }
0x14: {  	s8 =	simm.s32 $0x4580;
	s9 =	ssub.s32 s9, s12;
	s11 =	sshrl.u32 s5, $0x3  }
0x15: {  	s12 =	simm.s32 $0xA580;
	s10 =	sshrl.u32 s10, $0x3;
	s16 =	sadd.s32 s1, s11  }
0x16: {  	s13 =	sadd.s32 s11, s0;
	s11 =	sadd.s32 s7, s11;
	[dreg:$0x6] =	wrdreg s16  }
0x17: {  	s10 =	sadd.s32 s3, s10;
	s1 =	sadd.s32 $0x3070, s1;
	[dreg:$0x7] =	wrdreg s11  }
.Ltmp0:
0x18: {  	s0 =	sadd.s32 $0xC8670, s0;
	[dreg:$0xa] =	wrdreg s1;
	(pc) =	sbr.rel .LBB2_1-.Ltmp0, $4  }
0x19: {  	s7 =	simm.s32 $0xF;
	s10 =	sadd.s32 $0x6000, s10;
	[dreg:$0x13] =	wrdreg s0  }
0x1a: {  	s17 =	sadd.s32 $0xC5600, s13;
	s1 =	smax.u32 s9, $0x1;
	[dreg:$0x8] =	wrdreg s10  }
0x1b: {  	s9 =	simm.s32 $0xC80;
	s11 =	simm.s32 $0x1900;
	[dreg:$0x9] =	wrdreg s17  }
0x1c: {  	s17 =	simm.s32 $0x2580;
	s10 =	simm.s32 $0x2;
	[dreg:$0x14] =	wrdreg s1  }
.LBB2_5:
0x1d: {  	s0 =	rddreg [dreg:$0xa]  }
0x1e: {  	[tilespmem:s23], [sflag:$0xF] =	stream.linear.gather [hbm4b:s0+s23], $0x320, $0x38;
	[tilespmem:$0x1A580] =	vst v63  }
0x1f: {  	_ =	swait.ge [sflag:s7], $0x320  }
0x20: {  	[sflag:s7] =	ssyncset.done $0x0  }
0x21: {  	s13 =	rddreg [dreg:$0xb];
	[sflag:s7] =	ssyncadd.s32 $0xFFFFFCE0  }
0x22: {  	[tilespmem:s9], [sflag:$0xF] =	stream.linear.gather [hbm4b:s13+s23], $0x320, $0x38;
	[tilespmem:$0x1A580] =	vst v63  }
0x23: {  	_ =	swait.ge [sflag:s7], $0x320  }
0x24: {  	[sflag:s7] =	ssyncset.done $0x0  }
0x25: {  	[sflag:s7] =	ssyncadd.s32 $0xFFFFFCE0  }
0x26: {  	[tilespmem:s11], [sflag:$0xE] =	stream.indirect.gather [hbm4b:s2+s24], $0x1, s9, s24, $0xb8;
	[tilespmem:$0x1A580] =	vst v63  }
0x27: {  	s16 =	simm.s32 $0xD00;
	s13 =	simm.s32 $0x1980  }
0x28: {  	[tilespmem:s13], [sflag:$0xE] =	stream.indirect.gather [hbm4b:s2+s24], $0x1, s16, s24, $0xb8;
	[tilespmem:$0x1A580] =	vst v63  }
0x29: {  	s13 =	simm.s32 $0xD80;
	s16 =	simm.s32 $0x1A00  }
0x2a: {  	[tilespmem:s16], [sflag:$0xE] =	stream.indirect.gather [hbm4b:s2+s24], $0x1, s13, s24, $0xb8;
	[tilespmem:$0x1A580] =	vst v63  }
0x2b: {  	s13 =	simm.s32 $0xE00;
	s16 =	simm.s32 $0x1A80  }
0x2c: {  	[tilespmem:s16], [sflag:$0xE] =	stream.indirect.gather [hbm4b:s2+s24], $0x1, s13, s24, $0xb8;
	[tilespmem:$0x1A580] =	vst v63  }
0x2d: {  	s13 =	simm.s32 $0xE80;
	s16 =	simm.s32 $0x1B00  }
0x2e: {  	[tilespmem:s16], [sflag:$0xE] =	stream.indirect.gather [hbm4b:s2+s24], $0x1, s13, s24, $0xb8;
	[tilespmem:$0x1A580] =	vst v63  }
0x2f: {  	s13 =	simm.s32 $0xF00;
	s16 =	simm.s32 $0x1B80  }
0x30: {  	[tilespmem:s16], [sflag:$0xE] =	stream.indirect.gather [hbm4b:s2+s24], $0x1, s13, s24, $0xb8;
	[tilespmem:$0x1A580] =	vst v63  }
0x31: {  	s0 =	simm.s32 $0xF80;
	s13 =	simm.s32 $0x20;
	s16 =	simm.s32 $0x1C00  }
0x32: {  	[tilespmem:s16], [sflag:$0xE] =	stream.indirect.gather [hbm4b:s2+s13], $0x1, s0, s13, $0xb8;
	[tilespmem:$0x1A580] =	vst v63  }
0x33: {  	_ = 	snop  }
0x34: {  	[tilespmem:s17], [sflag:$0x1] =	stream.indirect.gather [hbm4b:s6+s24], $0x40, s23, s24, $0xb8;
	[tilespmem:$0x1A580] =	vst v63  }
0x35: {  	_ =	swait.ge [sflag:s4], $0x2000  }
0x36: {  	[sflag:s4] =	ssyncset.done $0x0  }
0x37: {  	s16 =	rddreg [dreg:$0xc];
	[sflag:s4] =	ssyncadd.s32 $0xFFFFE000  }
0x38: {  	[hbm4b:s16+s23] =	stream.linear.scatter [tilespmem:s17], [sflag:$0xF], $0x2000, $0x38;
	[tilespmem:$0x1A580] =	vst v63  }
0x39: {  	_ =	swait.ge [sflag:s7], $0x2000  }
0x3a: {  	[sflag:s7] =	ssyncset.done $0x0  }
0x3b: {  	[sflag:s7] =	ssyncadd.s32 $0xFFFFE000  }
0x3c: {  	[tilespmem:s8], [sflag:$0x2] =	stream.indirect.gather [hbm4b:s6+s24], $0x40, s24, s24, $0xb8;
	[tilespmem:$0x1A580] =	vst v63  }
0x3d: {  	_ =	swait.ge [sflag:s10], $0x2000  }
0x3e: {  	[sflag:s10] =	ssyncset.done $0x0  }
0x3f: {  	s16 =	rddreg [dreg:$0xd];
	[sflag:s10] =	ssyncadd.s32 $0xFFFFE000  }
0x40: {  	[hbm4b:s16+s23] =	stream.linear.scatter [tilespmem:s8], [sflag:$0xF], $0x2000, $0x38;
	[tilespmem:$0x1A580] =	vst v63  }
0x41: {  	_ =	swait.ge [sflag:s7], $0x2000  }
0x42: {  	[sflag:s7] =	ssyncset.done $0x0  }
0x43: {  	s16 =	simm.s32 $0x100;
	[sflag:s7] =	ssyncadd.s32 $0xFFFFE000  }
0x44: {  	[tilespmem:s18], [sflag:$0x3] =	stream.indirect.gather [hbm4b:s6+s24], $0x40, s16, s24, $0xb8;
	[tilespmem:$0x1A580] =	vst v63  }
0x45: {  	_ =	swait.ge [sflag:s20], $0x2000  }
0x46: {  	[sflag:s20] =	ssyncset.done $0x0  }
0x47: {  	s16 =	rddreg [dreg:$0xe];
	[sflag:s20] =	ssyncadd.s32 $0xFFFFE000  }
0x48: {  	[hbm4b:s16+s23] =	stream.linear.scatter [tilespmem:s18], [sflag:$0xF], $0x2000, $0x38;
	[tilespmem:$0x1A580] =	vst v63  }
0x49: {  	_ =	swait.ge [sflag:s7], $0x2000  }
0x4a: {  	[sflag:s7] =	ssyncset.done $0x0  }
0x4b: {  	s16 =	simm.s32 $0x180;
	[sflag:s7] =	ssyncadd.s32 $0xFFFFE000  }
0x4c: {  	[tilespmem:s19], [sflag:$0x4] =	stream.indirect.gather [hbm4b:s6+s24], $0x40, s16, s24, $0xb8;
	[tilespmem:$0x1A580] =	vst v63  }
0x4d: {  	_ =	swait.ge [sflag:s25], $0x2000  }
0x4e: {  	[sflag:s25] =	ssyncset.done $0x0  }
0x4f: {  	s16 =	rddreg [dreg:$0xf];
	[sflag:s25] =	ssyncadd.s32 $0xFFFFE000  }
0x50: {  	[hbm4b:s16+s23] =	stream.linear.scatter [tilespmem:s19], [sflag:$0xF], $0x2000, $0x38;
	[tilespmem:$0x1A580] =	vst v63  }
0x51: {  	_ =	swait.ge [sflag:s7], $0x2000  }
0x52: {  	[sflag:s7] =	ssyncset.done $0x0  }
0x53: {  	s16 =	simm.s32 $0x200;
	[sflag:s7] =	ssyncadd.s32 $0xFFFFE000  }
0x54: {  	[tilespmem:s12], [sflag:$0x5] =	stream.indirect.gather [hbm4b:s6+s24], $0x40, s16, s24, $0xb8;
	[tilespmem:$0x1A580] =	vst v63  }
0x55: {  	_ =	swait.ge [sflag:s21], $0x2000  }
0x56: {  	[sflag:s21] =	ssyncset.done $0x0  }
0x57: {  	s16 =	rddreg [dreg:$0x10];
	[sflag:s21] =	ssyncadd.s32 $0xFFFFE000  }
0x58: {  	[hbm4b:s16+s23] =	stream.linear.scatter [tilespmem:s12], [sflag:$0xF], $0x2000, $0x38;
	[tilespmem:$0x1A580] =	vst v63  }
0x59: {  	_ =	swait.ge [sflag:s7], $0x2000  }
0x5a: {  	[sflag:s7] =	ssyncset.done $0x0  }
0x5b: {  	s16 =	simm.s32 $0x280;
	[sflag:s7] =	ssyncadd.s32 $0xFFFFE000  }
0x5c: {  	[tilespmem:s22], [sflag:$0x6] =	stream.indirect.gather [hbm4b:s6+s24], $0x40, s16, s24, $0xb8;
	[tilespmem:$0x1A580] =	vst v63  }
0x5d: {  	_ =	swait.ge [sflag:s14], $0x2000  }
0x5e: {  	[sflag:s14] =	ssyncset.done $0x0  }
0x5f: {  	s16 =	rddreg [dreg:$0x11];
	[sflag:s14] =	ssyncadd.s32 $0xFFFFE000  }
0x60: {  	[hbm4b:s16+s23] =	stream.linear.scatter [tilespmem:s22], [sflag:$0xF], $0x2000, $0x38;
	[tilespmem:$0x1A580] =	vst v63  }
0x61: {  	_ =	swait.ge [sflag:s7], $0x2000  }
0x62: {  	[sflag:s7] =	ssyncset.done $0x0  }
0x63: {  	s16 =	simm.s32 $0x300;
	[sflag:s7] =	ssyncadd.s32 $0xFFFFE000  }
0x64: {  	[tilespmem:s26], [sflag:$0x7] =	stream.indirect.gather [hbm4b:s6+s13], $0x40, s16, s13, $0xb8;
	[tilespmem:$0x1A580] =	vst v63  }
0x65: {  	_ =	swait.ge [sflag:s29], $0x800  }
0x66: {  	[sflag:s29] =	ssyncset.done $0x0  }
0x67: {  	s13 =	rddreg [dreg:$0x12];
	[sflag:s29] =	ssyncadd.s32 $0xFFFFF800  }
0x68: {  	[hbm4b:s13+s23] =	stream.linear.scatter [tilespmem:s26], [sflag:$0xF], $0x800, $0x38;
	[tilespmem:$0x1A580] =	vst v63  }
0x69: {  	_ =	swait.ge [sflag:s7], $0x800  }
0x6a: {  	[sflag:s7] =	ssyncset.done $0x0  }
0x6b: {  	[sflag:s7] =	ssyncadd.s32 $0xFFFFF800  }
0x6c: {  	_ =	swait.ge [sflag:s15], $0x80  }
0x6d: {  	[sflag:s15] =	ssyncset.done $0x0  }
0x6e: {  	[sflag:s15] =	ssyncadd.s32 $0xFFFFFF80  }
0x6f: {  	_ =	swait.ge [sflag:s15], $0x80  }
0x70: {  	[sflag:s15] =	ssyncset.done $0x0  }
0x71: {  	[sflag:s15] =	ssyncadd.s32 $0xFFFFFF80  }
0x72: {  	_ =	swait.ge [sflag:s15], $0x80  }
0x73: {  	[sflag:s15] =	ssyncset.done $0x0  }
0x74: {  	[sflag:s15] =	ssyncadd.s32 $0xFFFFFF80  }
0x75: {  	_ =	swait.ge [sflag:s15], $0x80  }
0x76: {  	[sflag:s15] =	ssyncset.done $0x0  }
0x77: {  	[sflag:s15] =	ssyncadd.s32 $0xFFFFFF80  }
0x78: {  	_ =	swait.ge [sflag:s15], $0x80  }
0x79: {  	[sflag:s15] =	ssyncset.done $0x0  }
0x7a: {  	[sflag:s15] =	ssyncadd.s32 $0xFFFFFF80  }
0x7b: {  	_ =	swait.ge [sflag:s15], $0x80  }
0x7c: {  	[sflag:s15] =	ssyncset.done $0x0  }
0x7d: {  	[sflag:s15] =	ssyncadd.s32 $0xFFFFFF80  }
0x7e: {  	_ =	swait.ge [sflag:s15], $0x20  }
0x7f: {  	[sflag:s15] =	ssyncset.done $0x0  }
0x80: {  	s16 =	rddreg [dreg:$0x13];
	[sflag:s15] =	ssyncadd.s32 $0xFFFFFFE0  }
0x81: {  	[hbm4b:s16+s23] =	stream.linear.scatter [tilespmem:s11], [sflag:$0xF], $0x320, $0x38;
	[tilespmem:$0x1A580] =	vst v63  }
0x82: {  	_ =	swait.ge [sflag:s7], $0x320  }
0x83: {  	[sflag:s7] =	ssyncset.done $0x0  }
0x84: {  	[sflag:s7] =	ssyncadd.s32 $0xFFFFFCE0  }
.LBB2_6:
0x85: {  	s30 =	sadd.s32 $0x1, s30  }
0x86: {  	p1 =	sne.s32 s30, s1  }
.Ltmp1:
0x87: {  	_ = 	snop;
	(pc) =	sbr.rel @!p1 .LBB2_7-.Ltmp1, $1  }
0x88: {  	_ =	sdelay $0x3  }
.LBB2_1:
.Ltmp2:
0x89: {  	(pc) =	sbr.rel @p0 .LBB2_5-.Ltmp2, $1  }
0x8a: {  	_ =	sdelay $0x3  }
0x8b: {  	[dreg:$0x15] =	wrdreg s30  }
0x8c: {  	s17 =	simm.s32 $0x0;
	s0 =	rddreg [dreg:$0x6]  }
0x8d: {  	[tilespmem:s17], [sflag:$0xF] =	stream.linear.gather [hbm4b:s0+s17], $0xC80, $0x38;
	[tilespmem:$0x1A580] =	vst v63  }
0x8e: {  	_ =	swait.ge [sflag:s7], $0xC80  }
0x8f: {  	[sflag:s7] =	ssyncset.done $0x0  }
0x90: {  	s30 =	rddreg [dreg:$0x7];
	[sflag:s7] =	ssyncadd.s32 $0xFFFFF380  }
0x91: {  	[tilespmem:s9], [sflag:$0xF] =	stream.linear.gather [hbm4b:s30+s17], $0xC80, $0x38;
	[tilespmem:$0x1A580] =	vst v63  }
0x92: {  	_ =	swait.ge [sflag:s7], $0xC80  }
0x93: {  	[sflag:s7] =	ssyncset.done $0x0  }
0x94: {  	p1 =	por $0x1, $0x1;
	[sflag:s7] =	ssyncadd.s32 $0xFFFFF380  }
.LBB2_3:
0x95: {  	s1 =	sadd.s32 $0x1900, s17;
	s7 =	sadd.s32 $0xC80, s17  }
0x96: {  	[tilespmem:s1], [sflag:$0xE] =	stream.indirect.gather [hbm4b:s2+s24], $0x1, s7, s24, $0xb8;
	[tilespmem:$0x1A580] =	vst v63  }
0x97: {  	s0 =	sadd.s32 $0x1980, s17;
	s4 =	sadd.s32 $0xD00, s17  }
0x98: {  	[tilespmem:s0], [sflag:$0xE] =	stream.indirect.gather [hbm4b:s2+s24], $0x1, s4, s24, $0xb8;
	[tilespmem:$0x1A580] =	vst v63  }
0x99: {  	s8 =	sadd.s32 $0x1A00, s17;
	s9 =	sadd.s32 $0xD80, s17  }
0x9a: {  	[tilespmem:s8], [sflag:$0xE] =	stream.indirect.gather [hbm4b:s2+s24], $0x1, s9, s24, $0xb8;
	[tilespmem:$0x1A580] =	vst v63  }
0x9b: {  	s10 =	sadd.s32 $0x1A80, s17;
	s11 =	sadd.s32 $0xE00, s17  }
0x9c: {  	[tilespmem:s10], [sflag:$0xE] =	stream.indirect.gather [hbm4b:s2+s24], $0x1, s11, s24, $0xb8;
	[tilespmem:$0x1A580] =	vst v63  }
0x9d: {  	s12 =	sadd.s32 $0x1B00, s17;
	s13 =	sadd.s32 $0xE80, s17  }
0x9e: {  	[tilespmem:s12], [sflag:$0xE] =	stream.indirect.gather [hbm4b:s2+s24], $0x1, s13, s24, $0xb8;
	[tilespmem:$0x1A580] =	vst v63  }
0x9f: {  	s14 =	sadd.s32 $0x1B80, s17;
	s16 =	sadd.s32 $0xF00, s17  }
0xa0: {  	[tilespmem:s14], [sflag:$0xE] =	stream.indirect.gather [hbm4b:s2+s24], $0x1, s16, s24, $0xb8;
	[tilespmem:$0x1A580] =	vst v63  }
0xa1: {  	s18 =	sadd.s32 $0x1C00, s17;
	s19 =	sadd.s32 $0xF80, s17  }
0xa2: {  	[tilespmem:s18], [sflag:$0xE] =	stream.indirect.gather [hbm4b:s2+s24], $0x1, s19, s24, $0xb8;
	[tilespmem:$0x1A580] =	vst v63  }
0xa3: {  	s20 =	sadd.s32 $0x1C80, s17;
	s21 =	sadd.s32 $0x1000, s17  }
0xa4: {  	[tilespmem:s20], [sflag:$0xE] =	stream.indirect.gather [hbm4b:s2+s24], $0x1, s21, s24, $0xb8;
	[tilespmem:$0x1A580] =	vst v63  }
0xa5: {  	s22 =	sadd.s32 $0x1D00, s17;
	s25 =	sadd.s32 $0x1080, s17  }
0xa6: {  	[tilespmem:s22], [sflag:$0xE] =	stream.indirect.gather [hbm4b:s2+s24], $0x1, s25, s24, $0xb8;
	[tilespmem:$0x1A580] =	vst v63  }
0xa7: {  	s26 =	sadd.s32 $0x1D80, s17;
	s30 =	sadd.s32 $0x1100, s17  }
0xa8: {  	[tilespmem:s26], [sflag:$0xE] =	stream.indirect.gather [hbm4b:s2+s24], $0x1, s30, s24, $0xb8;
	[tilespmem:$0x1A580] =	vst v63  }
0xa9: {  	s0 =	sadd.s32 $0x1E00, s17;
	s4 =	sadd.s32 $0x1180, s17  }
0xaa: {  	[tilespmem:s0], [sflag:$0xE] =	stream.indirect.gather [hbm4b:s2+s24], $0x1, s4, s24, $0xb8;
	[tilespmem:$0x1A580] =	vst v63  }
0xab: {  	s8 =	sadd.s32 $0x1E80, s17;
	s9 =	sadd.s32 $0x1200, s17  }
0xac: {  	[tilespmem:s8], [sflag:$0xE] =	stream.indirect.gather [hbm4b:s2+s24], $0x1, s9, s24, $0xb8;
	[tilespmem:$0x1A580] =	vst v63  }
0xad: {  	s8 =	simm.s32 $0x2580  }
0xae: {  	[tilespmem:s8], [sflag:$0x1] =	stream.indirect.gather [hbm4b:s6+s24], $0x40, s17, s24, $0xb8;
	[tilespmem:$0x1A580] =	vst v63  }
0xaf: {  	s30 =	simm.s32 $0x4580;
	s9 =	sor.u32 $0x80, s17  }
0xb0: {  	[tilespmem:s30], [sflag:$0x2] =	stream.indirect.gather [hbm4b:s6+s24], $0x40, s9, s24, $0xb8;
	[tilespmem:$0x1A580] =	vst v63  }
0xb1: {  	s20 =	sor.u32 $0x100, s17  }
0xb2: {  	[tilespmem:s31], [sflag:$0x3] =	stream.indirect.gather [hbm4b:s6+s24], $0x40, s20, s24, $0xb8;
	[tilespmem:$0x1A580] =	vst v63  }
0xb3: {  	s22 =	simm.s32 $0x8580;
	s0 =	sor.u32 $0x180, s17  }
0xb4: {  	[tilespmem:s22], [sflag:$0x4] =	stream.indirect.gather [hbm4b:s6+s24], $0x40, s0, s24, $0xb8;
	[tilespmem:$0x1A580] =	vst v63  }
0xb5: {  	s11 =	sadd.s32 $0x200, s17;
	s26 =	simm.s32 $0xA580  }
0xb6: {  	[tilespmem:s26], [sflag:$0x5] =	stream.indirect.gather [hbm4b:s6+s24], $0x40, s11, s24, $0xb8;
	[tilespmem:$0x1A580] =	vst v63  }
0xb7: {  	s13 =	sadd.s32 $0x280, s17;
	s12 =	simm.s32 $0xC580  }
0xb8: {  	[tilespmem:s12], [sflag:$0x6] =	stream.indirect.gather [hbm4b:s6+s24], $0x40, s13, s24, $0xb8;
	[tilespmem:$0x1A580] =	vst v63  }
0xb9: {  	s29 =	sadd.s32 $0x300, s17;
	s25 =	simm.s32 $0xE580  }
0xba: {  	[tilespmem:s25], [sflag:$0x7] =	stream.indirect.gather [hbm4b:s6+s24], $0x40, s29, s24, $0xb8;
	[tilespmem:$0x1A580] =	vst v63  }
0xbb: {  	s19 =	sadd.s32 $0x380, s17;
	s4 =	simm.s32 $0x10580  }
0xbc: {  	[tilespmem:s4], [sflag:$0x8] =	stream.indirect.gather [hbm4b:s6+s24], $0x40, s19, s24, $0xb8;
	[tilespmem:$0x1A580] =	vst v63  }
0xbd: {  	s18 =	sadd.s32 $0x400, s17;
	s21 =	simm.s32 $0x12580  }
0xbe: {  	[tilespmem:s21], [sflag:$0x9] =	stream.indirect.gather [hbm4b:s6+s24], $0x40, s18, s24, $0xb8;
	[tilespmem:$0x1A580] =	vst v63  }
0xbf: {  	s7 =	sadd.s32 $0x480, s17;
	s14 =	simm.s32 $0x14580  }
0xc0: {  	[tilespmem:s14], [sflag:$0xA] =	stream.indirect.gather [hbm4b:s6+s24], $0x40, s7, s24, $0xb8;
	[tilespmem:$0x1A580] =	vst v63  }
0xc1: {  	s10 =	simm.s32 $0x16580;
	s16 =	sadd.s32 $0x500, s17  }
0xc2: {  	[tilespmem:s10], [sflag:$0xB] =	stream.indirect.gather [hbm4b:s6+s24], $0x40, s16, s24, $0xb8;
	[tilespmem:$0x1A580] =	vst v63  }
0xc3: {  	s1 =	sadd.s32 $0x580, s17;
	s10 =	simm.s32 $0x18580  }
0xc4: {  	[tilespmem:s10], [sflag:$0xC] =	stream.indirect.gather [hbm4b:s6+s24], $0x40, s1, s24, $0xb8;
	[tilespmem:$0x1A580] =	vst v63  }
0xc5: {  	s10 =	simm.s32 $0x1  }
0xc6: {  	s17 =	sadd.s32 s5, s17;
	_ =	swait.ge [sflag:s10], $0x2000  }
0xc7: {  	s17 =	sshll.u32 s17, $0x3;
	[sflag:s10] =	ssyncset.done $0x0  }
0xc8: {  	s17 =	sadd.s32 s3, s17;
	s9 =	sadd.s32 s5, s9;
	[sflag:s10] =	ssyncadd.s32 $0xFFFFE000  }
0xc9: {  	[hbm4b:s17+s23] =	stream.linear.scatter [tilespmem:s8], [sflag:$0xD], $0x2000, $0x38;
	[tilespmem:$0x1A580] =	vst v63  }
0xca: {  	s9 =	sshll.u32 s9, $0x3;
	s17 =	simm.s32 $0x2  }
0xcb: {  	s9 =	sand.u32 $0x1FFFFC00, s9;
	_ =	swait.ge [sflag:s17], $0x2000  }
0xcc: {  	s9 =	sadd.s32 s3, s9;
	[sflag:s17] =	ssyncset.done $0x0  }
0xcd: {  	s8 =	sadd.s32 s5, s20;
	s20 =	simm.s32 $0x3;
	[sflag:s17] =	ssyncadd.s32 $0xFFFFE000  }
0xce: {  	[hbm4b:s9+s23] =	stream.linear.scatter [tilespmem:s30], [sflag:$0xD], $0x2000, $0x38;
	[tilespmem:$0x1A580] =	vst v63  }
0xcf: {  	s9 =	sshll.u32 s8, $0x3;
	_ =	swait.ge [sflag:s20], $0x2000  }
0xd0: {  	s9 =	sand.u32 $0x1FFFFC00, s9;
	[sflag:s20] =	ssyncset.done $0x0  }
0xd1: {  	s0 =	sadd.s32 s5, s0;
	s9 =	sadd.s32 s3, s9;
	[sflag:s20] =	ssyncadd.s32 $0xFFFFE000  }
0xd2: {  	[hbm4b:s9+s23] =	stream.linear.scatter [tilespmem:s31], [sflag:$0xD], $0x2000, $0x38;
	[tilespmem:$0x1A580] =	vst v63  }
0xd3: {  	s0 =	sshll.u32 s0, $0x3;
	s9 =	simm.s32 $0x4  }
0xd4: {  	s0 =	sand.u32 $0x1FFFFC00, s0;
	_ =	swait.ge [sflag:s9], $0x2000  }
0xd5: {  	s0 =	sadd.s32 s3, s0;
	[sflag:s9] =	ssyncset.done $0x0  }
0xd6: {  	s10 =	sadd.s32 s5, s11;
	s11 =	simm.s32 $0x5;
	[sflag:s9] =	ssyncadd.s32 $0xFFFFE000  }
0xd7: {  	[hbm4b:s0+s23] =	stream.linear.scatter [tilespmem:s22], [sflag:$0xD], $0x2000, $0x38;
	[tilespmem:$0x1A580] =	vst v63  }
0xd8: {  	s0 =	sshll.u32 s10, $0x3;
	_ =	swait.ge [sflag:s11], $0x2000  }
0xd9: {  	s17 =	sadd.s32 s5, s13;
	s0 =	sand.u32 $0x1FFFFC00, s0;
	[sflag:s11] =	ssyncset.done $0x0  }
0xda: {  	s30 =	simm.s32 $0x6;
	s0 =	sadd.s32 s3, s0;
	[sflag:s11] =	ssyncadd.s32 $0xFFFFE000  }
0xdb: {  	[hbm4b:s0+s23] =	stream.linear.scatter [tilespmem:s26], [sflag:$0xD], $0x2000, $0x38;
	[tilespmem:$0x1A580] =	vst v63  }
0xdc: {  	s0 =	sshll.u32 s17, $0x3;
	_ =	swait.ge [sflag:s30], $0x2000  }
0xdd: {  	s10 =	sadd.s32 s5, s29;
	s0 =	sand.u32 $0x1FFFFC00, s0;
	[sflag:s30] =	ssyncset.done $0x0  }
0xde: {  	s29 =	simm.s32 $0x7;
	s0 =	sadd.s32 s3, s0;
	[sflag:s30] =	ssyncadd.s32 $0xFFFFE000  }
0xdf: {  	[hbm4b:s0+s23] =	stream.linear.scatter [tilespmem:s12], [sflag:$0xD], $0x2000, $0x38;
	[tilespmem:$0x1A580] =	vst v63  }
0xe0: {  	s0 =	sshll.u32 s10, $0x3;
	_ =	swait.ge [sflag:s29], $0x2000  }
0xe1: {  	s26 =	simm.s32 $0x8;
	s0 =	sand.u32 $0x1FFFFC00, s0;
	[sflag:s29] =	ssyncset.done $0x0  }
0xe2: {  	s12 =	sadd.s32 s5, s19;
	s0 =	sadd.s32 s3, s0;
	[sflag:s29] =	ssyncadd.s32 $0xFFFFE000  }
0xe3: {  	[hbm4b:s0+s23] =	stream.linear.scatter [tilespmem:s25], [sflag:$0xD], $0x2000, $0x38;
	[tilespmem:$0x1A580] =	vst v63  }
0xe4: {  	s0 =	sshll.u32 s12, $0x3;
	_ =	swait.ge [sflag:s26], $0x2000  }
0xe5: {  	s22 =	simm.s32 $0x9;
	s0 =	sand.u32 $0x1FFFFC00, s0;
	[sflag:s26] =	ssyncset.done $0x0  }
0xe6: {  	s17 =	sadd.s32 s5, s18;
	s0 =	sadd.s32 s3, s0;
	[sflag:s26] =	ssyncadd.s32 $0xFFFFE000  }
0xe7: {  	[hbm4b:s0+s23] =	stream.linear.scatter [tilespmem:s4], [sflag:$0xD], $0x2000, $0x38;
	[tilespmem:$0x1A580] =	vst v63  }
0xe8: {  	s0 =	sshll.u32 s17, $0x3;
	_ =	swait.ge [sflag:s22], $0x2000  }
0xe9: {  	s13 =	simm.s32 $0xA;
	s0 =	sand.u32 $0x1FFFFC00, s0;
	[sflag:s22] =	ssyncset.done $0x0  }
0xea: {  	s18 =	sadd.s32 s5, s7;
	s0 =	sadd.s32 s3, s0;
	[sflag:s22] =	ssyncadd.s32 $0xFFFFE000  }
0xeb: {  	[hbm4b:s0+s23] =	stream.linear.scatter [tilespmem:s21], [sflag:$0xD], $0x2000, $0x38;
	[tilespmem:$0x1A580] =	vst v63  }
0xec: {  	s0 =	sshll.u32 s18, $0x3;
	_ =	swait.ge [sflag:s13], $0x2000  }
0xed: {  	s22 =	sadd.s32 s5, s16;
	s0 =	sand.u32 $0x1FFFFC00, s0;
	[sflag:s13] =	ssyncset.done $0x0  }
0xee: {  	s21 =	simm.s32 $0xB;
	s0 =	sadd.s32 s3, s0;
	[sflag:s13] =	ssyncadd.s32 $0xFFFFE000  }
0xef: {  	[hbm4b:s0+s23] =	stream.linear.scatter [tilespmem:s14], [sflag:$0xD], $0x2000, $0x38;
	[tilespmem:$0x1A580] =	vst v63  }
0xf0: {  	s19 =	simm.s32 $0xC;
	s0 =	sshll.u32 s22, $0x3;
	_ =	swait.ge [sflag:s21], $0x2000  }
0xf1: {  	s25 =	simm.s32 $0x16580;
	s0 =	sand.u32 $0x1FFFFC00, s0;
	[sflag:s21] =	ssyncset.done $0x0  }
0xf2: {  	s26 =	sadd.s32 s5, s1;
	s0 =	sadd.s32 s3, s0;
	[sflag:s21] =	ssyncadd.s32 $0xFFFFE000  }
0xf3: {  	[hbm4b:s0+s23] =	stream.linear.scatter [tilespmem:s25], [sflag:$0xD], $0x2000, $0x38;
	[tilespmem:$0x1A580] =	vst v63  }
0xf4: {  	s0 =	sshll.u32 s26, $0x3;
	_ =	swait.ge [sflag:s19], $0x2000  }
0xf5: {  	s0 =	sand.u32 $0x1FFFFC00, s0;
	[sflag:s19] =	ssyncset.done $0x0  }
0xf6: {  	s30 =	simm.s32 $0x18580;
	s0 =	sadd.s32 s3, s0;
	[sflag:s19] =	ssyncadd.s32 $0xFFFFE000  }
0xf7: {  	[hbm4b:s0+s23] =	stream.linear.scatter [tilespmem:s30], [sflag:$0xD], $0x2000, $0x38;
	[tilespmem:$0x1A580] =	vst v63  }
0xf8: {  	_ =	swait.ge [sflag:s28], $0x2000  }
0xf9: {  	[sflag:s28] =	ssyncset.done $0x0  }
0xfa: {  	[sflag:s28] =	ssyncadd.s32 $0xFFFFE000  }
0xfb: {  	_ =	swait.ge [sflag:s15], $0x80  }
0xfc: {  	[sflag:s15] =	ssyncset.done $0x0  }
0xfd: {  	[sflag:s15] =	ssyncadd.s32 $0xFFFFFF80  }
0xfe: {  	_ =	swait.ge [sflag:s28], $0x2000  }
0xff: {  	[sflag:s28] =	ssyncset.done $0x0  }
0x100: {  	[sflag:s28] =	ssyncadd.s32 $0xFFFFE000  }
0x101: {  	_ =	swait.ge [sflag:s15], $0x80  }
0x102: {  	[sflag:s15] =	ssyncset.done $0x0  }
0x103: {  	[sflag:s15] =	ssyncadd.s32 $0xFFFFFF80  }
0x104: {  	_ =	swait.ge [sflag:s28], $0x2000  }
0x105: {  	[sflag:s28] =	ssyncset.done $0x0  }
0x106: {  	[sflag:s28] =	ssyncadd.s32 $0xFFFFE000  }
0x107: {  	_ =	swait.ge [sflag:s15], $0x80  }
0x108: {  	[sflag:s15] =	ssyncset.done $0x0  }
0x109: {  	[sflag:s15] =	ssyncadd.s32 $0xFFFFFF80  }
0x10a: {  	_ =	swait.ge [sflag:s28], $0x2000  }
0x10b: {  	[sflag:s28] =	ssyncset.done $0x0  }
0x10c: {  	[sflag:s28] =	ssyncadd.s32 $0xFFFFE000  }
0x10d: {  	_ =	swait.ge [sflag:s15], $0x80  }
0x10e: {  	[sflag:s15] =	ssyncset.done $0x0  }
0x10f: {  	[sflag:s15] =	ssyncadd.s32 $0xFFFFFF80  }
0x110: {  	_ =	swait.ge [sflag:s28], $0x2000  }
0x111: {  	[sflag:s28] =	ssyncset.done $0x0  }
0x112: {  	[sflag:s28] =	ssyncadd.s32 $0xFFFFE000  }
0x113: {  	_ =	swait.ge [sflag:s15], $0x80  }
0x114: {  	[sflag:s15] =	ssyncset.done $0x0  }
0x115: {  	[sflag:s15] =	ssyncadd.s32 $0xFFFFFF80  }
0x116: {  	_ =	swait.ge [sflag:s28], $0x2000  }
0x117: {  	[sflag:s28] =	ssyncset.done $0x0  }
0x118: {  	[sflag:s28] =	ssyncadd.s32 $0xFFFFE000  }
0x119: {  	_ =	swait.ge [sflag:s15], $0x80  }
0x11a: {  	[sflag:s15] =	ssyncset.done $0x0  }
0x11b: {  	[sflag:s15] =	ssyncadd.s32 $0xFFFFFF80  }
0x11c: {  	_ =	swait.ge [sflag:s28], $0x2000  }
0x11d: {  	[sflag:s28] =	ssyncset.done $0x0  }
0x11e: {  	[sflag:s28] =	ssyncadd.s32 $0xFFFFE000  }
0x11f: {  	_ =	swait.ge [sflag:s15], $0x80  }
0x120: {  	[sflag:s15] =	ssyncset.done $0x0  }
0x121: {  	[sflag:s15] =	ssyncadd.s32 $0xFFFFFF80  }
0x122: {  	_ =	swait.ge [sflag:s28], $0x2000  }
0x123: {  	[sflag:s28] =	ssyncset.done $0x0  }
0x124: {  	[sflag:s28] =	ssyncadd.s32 $0xFFFFE000  }
0x125: {  	_ =	swait.ge [sflag:s15], $0x80  }
0x126: {  	[sflag:s15] =	ssyncset.done $0x0  }
0x127: {  	[sflag:s15] =	ssyncadd.s32 $0xFFFFFF80  }
0x128: {  	_ =	swait.ge [sflag:s28], $0x2000  }
0x129: {  	[sflag:s28] =	ssyncset.done $0x0  }
0x12a: {  	[sflag:s28] =	ssyncadd.s32 $0xFFFFE000  }
0x12b: {  	_ =	swait.ge [sflag:s15], $0x80  }
0x12c: {  	[sflag:s15] =	ssyncset.done $0x0  }
0x12d: {  	[sflag:s15] =	ssyncadd.s32 $0xFFFFFF80  }
0x12e: {  	_ =	swait.ge [sflag:s28], $0x2000  }
0x12f: {  	[sflag:s28] =	ssyncset.done $0x0  }
0x130: {  	[sflag:s28] =	ssyncadd.s32 $0xFFFFE000  }
0x131: {  	_ =	swait.ge [sflag:s15], $0x80  }
0x132: {  	[sflag:s15] =	ssyncset.done $0x0  }
0x133: {  	[sflag:s15] =	ssyncadd.s32 $0xFFFFFF80  }
0x134: {  	_ =	swait.ge [sflag:s28], $0x2000  }
0x135: {  	[sflag:s28] =	ssyncset.done $0x0  }
0x136: {  	[sflag:s28] =	ssyncadd.s32 $0xFFFFE000  }
0x137: {  	_ =	swait.ge [sflag:s15], $0x80  }
0x138: {  	[sflag:s15] =	ssyncset.done $0x0  }
0x139: {  	[sflag:s15] =	ssyncadd.s32 $0xFFFFFF80  }
0x13a: {  	p2 =	por p1, p1;
	_ =	swait.ge [sflag:s28], $0x2000  }
.Ltmp3:
0x13b: {  	[sflag:s28] =	ssyncset.done $0x0;
	(pc) =	sbr.rel @p2 .LBB2_3-.Ltmp3, $4  }
0x13c: {  	[sflag:s28] =	ssyncadd.s32 $0xFFFFE000  }
0x13d: {  	_ =	swait.ge [sflag:s15], $0x80  }
0x13e: {  	[sflag:s15] =	ssyncset.done $0x0  }
0x13f: {  	p1 =	por $0x0, $0x0;
	s17 =	simm.s32 $0x600;
	[sflag:s15] =	ssyncadd.s32 $0xFFFFFF80  }
0x140: {  	s0 =	simm.s32 $0x1880;
	s1 =	simm.s32 $0x2500  }
0x141: {  	[tilespmem:s1], [sflag:$0xE] =	stream.indirect.gather [hbm4b:s2+s24], $0x1, s0, s24, $0xb8;
	[tilespmem:$0x1A580] =	vst v63  }
0x142: {  	s19 =	simm.s32 $0xC00;
	s21 =	simm.s32 $0x2580;
	s22 =	simm.s32 $0x1  }
0x143: {  	[tilespmem:s21], [sflag:$0x1] =	stream.indirect.gather [hbm4b:s6+s24], $0x40, s19, s24, $0xb8;
	[tilespmem:$0x1A580] =	vst v63  }
0x144: {  	_ =	swait.ge [sflag:s22], $0x2000  }
0x145: {  	[sflag:s22] =	ssyncset.done $0x0  }
0x146: {  	s7 =	simm.s32 $0xF;
	s25 =	rddreg [dreg:$0x8];
	[sflag:s22] =	ssyncadd.s32 $0xFFFFE000  }
0x147: {  	[hbm4b:s25+s23] =	stream.linear.scatter [tilespmem:s21], [sflag:$0xF], $0x2000, $0x38;
	[tilespmem:$0x1A580] =	vst v63  }
0x148: {  	s11 =	simm.s32 $0x1900;
	s9 =	simm.s32 $0xC80;
	_ =	swait.ge [sflag:s7], $0x2000  }
0x149: {  	s17 =	simm.s32 $0x2580;
	s8 =	simm.s32 $0x4580;
	[sflag:s7] =	ssyncset.done $0x0  }
0x14a: {  	s10 =	simm.s32 $0x2;
	s18 =	simm.s32 $0x6580;
	[sflag:s7] =	ssyncadd.s32 $0xFFFFE000  }
0x14b: {  	s4 =	simm.s32 $0x1;
	s12 =	simm.s32 $0xA580;
	_ =	swait.ge [sflag:s15], $0x80  }
0x14c: {  	s14 =	simm.s32 $0x6;
	s19 =	simm.s32 $0x8580;
	[sflag:s15] =	ssyncset.done $0x0  }
.Ltmp4:
0x14d: {  	s26 =	rddreg [dreg:$0x9];
	[sflag:s15] =	ssyncadd.s32 $0xFFFFFF80;
	(pc) =	sbr.rel .LBB2_6-.Ltmp4, $4  }
0x14e: {  	[hbm4b:s26+s23] =	stream.linear.scatter [tilespmem:s11], [sflag:$0xF], $0xC80, $0x38;
	[tilespmem:$0x1A580] =	vst v63  }
0x14f: {  	s22 =	simm.s32 $0xC580;
	s25 =	simm.s32 $0x4;
	_ =	swait.ge [sflag:s7], $0xC80  }
0x150: {  	s21 =	simm.s32 $0x5;
	[sflag:s7] =	ssyncset.done $0x0;
	s1 =	rddreg [dreg:$0x14]  }
0x151: {  	s26 =	simm.s32 $0xE580;
	s30 =	rddreg [dreg:$0x15];
	[sflag:s7] =	ssyncadd.s32 $0xFFFFF380  }
.LBB2_7:
0x152: {  	_ =	sfence.sel $0x180000  }
0x153: {  	[bflag:$0x0] =	sbarrier.arrive $0xFFFF  }
0x154: {  	_ =	strace $0x90000047  }
0x155: {  	s0 =	stileid.u32;
	[bflag:$0x2] =	sbarrier.arrive $0xFFFF  }
0x156: {  	p0 =	sne.s32 s0, $0x0;
	s0 =	rddreg [dreg:$0x5]  }
0x157: {  	s0 =	sadd.s32 @!p0 $0x100000, s0  }
0x158: {  	[sflag:s0] =	ssyncadd.tile.s32 @!p0 $0x1;
	_ =	shalt  }
.Lfunc_end2:
_tile_overlayer_lowered:
.L_overlay_start_2:
0x159: {  	(tag) =	ssettag $0x2  }
0x15a: {  	s0 =	rddreg [dreg:$0x0];
	s2 =	stileid.u32  }
0x15b: {  	s1 =	rddreg [dreg:$0x1];
	p0 =	sne.s32 s2, $0x0  }
0x15c: {  	s3 =	rddreg [dreg:$0x2];
	[bflag:$0x3] =	sbarrier.arrive $0xFFFF;
	s2 =	simm.s32 @!p0 $0x1C0F  }
0x15d: {  	[timem:s3], [sflag:s2] =	dma.local @!p0 [hbm:s0], s1  }
0x15e: {  	s0 =	simm.s32 @!p0 $0xF  }
0x15f: {  	_ =	swait.ge @!p0 [sflag:s0], s1  }
0x160: {  	s1 =	ssub.s32 @!p0 $0x0, s1;
	[sflag:s0] =	ssyncset.done @!p0 $0x0  }
0x161: {  	[sflag:s0] =	ssyncadd.s32 @!p0 s1  }
0x162: {  	[bflag:$0x3] =	sbarrier.arrive $0xFFFF  }
0x163: {  	_ =	shalt  }

</sc_bundles>
